<compile_context>
chip_gen: v7x
topology: tpu7x:2x2x1
jax: 0.10.2.dev20260603
libtpu: 0.0.44.dev20260713+nightly
codegen_flags: <defaults>
</compile_context>

<pallas_src>
import functools

import jax
import jax.numpy as jnp
from jax import lax
from jax.experimental import pallas as pl
from jax.experimental.pallas import tpu as pltpu
from jax.experimental.pallas import tpu_sc as plsc

N = 10000
NP = 10112
E = 320000
NC = 2
NS = 16
NW = NC * NS
CH = 128
NCH = 80
NBUF = 4
EPAD = NW * NCH * CH
RPS = NP // NS

_f32 = jnp.float32
_i32 = jnp.int32


def _sc_mesh():
    return plsc.VectorSubcoreMesh(core_axis_name="c", subcore_axis_name="s")



@functools.partial(
    pl.kernel,
    out_type=jax.ShapeDtypeStruct((NC, NP, 16), _f32),
    mesh=_sc_mesh(),
    compiler_params=pltpu.CompilerParams(use_tc_tiling_on_sc=False),
    scratch_types=[
        pltpu.VMEM((NCH, CH), _i32),
        pltpu.VMEM((CH, 16), _f32),
        pltpu.VMEM_SHARED((NP, 16), _f32),
    ],
)
def _sc_deg(dst_hbm, zeros_hbm, ones_hbm, out_hbm, dst_v, ones_v, acc):
    c = lax.axis_index("c")
    s = lax.axis_index("s")
    wid = c * NS + s
    pltpu.sync_copy(zeros_hbm.at[pl.ds(s * RPS, RPS)], acc.at[pl.ds(s * RPS, RPS)])
    pltpu.sync_copy(dst_hbm.at[wid], dst_v)
    pltpu.sync_copy(ones_hbm, ones_v)
    plsc.subcore_barrier()

    def body(j, carry):
        pltpu.sync_copy(ones_v, acc.at[dst_v.at[j]], add=True)
        return carry

    lax.fori_loop(0, NCH, body, 0)
    plsc.subcore_barrier()
    pltpu.sync_copy(acc.at[pl.ds(s * RPS, RPS)], out_hbm.at[c, pl.ds(s * RPS, RPS)])


def _make_sc_agg(F, dtype):
    @functools.partial(
        pl.kernel,
        out_type=jax.ShapeDtypeStruct((NC, NP, F), dtype),
        mesh=_sc_mesh(),
        compiler_params=pltpu.CompilerParams(use_tc_tiling_on_sc=False),
        scratch_types=[
            pltpu.VMEM((NCH, CH), _i32),
            pltpu.VMEM((NCH, CH), _i32),
            pltpu.VMEM((NBUF, CH, F), dtype),
            pltpu.VMEM_SHARED((NP, F), dtype),
        ] + [pltpu.SemaphoreType.DMA] * NBUF,
    )
    def agg(g_hbm, src_hbm, dst_hbm, zeros_hbm, out_hbm,
            src_v, dst_v, rows, acc, *gsems):
        c = lax.axis_index("c")
        s = lax.axis_index("s")
        wid = c * NS + s
        pltpu.sync_copy(zeros_hbm.at[pl.ds(s * RPS, RPS)], acc.at[pl.ds(s * RPS, RPS)])
        pltpu.sync_copy(src_hbm.at[wid], src_v)
        pltpu.sync_copy(dst_hbm.at[wid], dst_v)
        plsc.subcore_barrier()

        def g_start(j, b):
            pltpu.async_copy(g_hbm.at[src_v.at[j]], rows.at[b], gsems[b])

        def g_wait(j, b):
            pltpu.make_async_copy(g_hbm.at[src_v.at[j]], rows.at[b], gsems[b]).wait()

        def scat(j, b):
            pltpu.sync_copy(rows.at[b], acc.at[dst_v.at[j]], add=True)

        for b in range(NBUF):
            g_start(b, b)

        def body(i, carry):
            for b in range(NBUF):
                j = NBUF * i + b
                g_wait(j, b)
                scat(j, b)
                g_start(j + NBUF, b)
            return carry

        lax.fori_loop(0, NCH // NBUF - 1, body, 0)
        for b in range(NBUF):
            j = NCH - NBUF + b
            g_wait(j, b)
            scat(j, b)

        plsc.subcore_barrier()
        pltpu.sync_copy(acc.at[pl.ds(s * RPS, RPS)], out_hbm.at[c, pl.ds(s * RPS, RPS)])

    return agg


_sc_agg128 = _make_sc_agg(128, jnp.bfloat16)
_sc_agg16 = _make_sc_agg(16, _f32)



def _tc_matmul(xpad, W1):
    def body(x_ref, w_ref, h_ref):
        h_ref[...] = jnp.dot(x_ref[...], w_ref[...],
                             preferred_element_type=_f32,
                             precision=lax.Precision.HIGHEST)

    return pl.pallas_call(
        body,
        out_shape=jax.ShapeDtypeStruct((NP, 128), _f32),
    )(xpad, W1)


def _tc_prep(h1, deg_parts):
    def body(h_ref, dp_ref, g_ref, dis_ref):
        degf = dp_ref[0] + dp_ref[1] + 1.0
        disf = lax.rsqrt(degf)
        dis_ref[...] = disf
        g_ref[...] = (h_ref[...] * disf[:, 0:1]).astype(jnp.bfloat16)

    return pl.pallas_call(
        body,
        out_shape=(jax.ShapeDtypeStruct((NP, 128), jnp.bfloat16),
                   jax.ShapeDtypeStruct((NP, 16), _f32)),
    )(h1, deg_parts)


def _tc_mid(parts1, g1, disf, b1, W2):
    def body(p_ref, g_ref, d_ref, b_ref, w_ref, g2_ref):
        dis = d_ref[:, 0:1]
        agg = (p_ref[0].astype(_f32) + p_ref[1].astype(_f32)
               + g_ref[...].astype(_f32))
        out1 = agg * dis + b_ref[...][None, :]
        out1 = jnp.maximum(out1, 0.0)
        h2 = jnp.dot(out1, w_ref[...],
                     preferred_element_type=_f32,
                     precision=lax.Precision.HIGHEST)
        g2_ref[...] = h2 * dis

    return pl.pallas_call(
        body,
        out_shape=jax.ShapeDtypeStruct((NP, 16), _f32),
    )(parts1, g1, disf, b1, W2)


def _tc_final(parts2, g2, disf, b2):
    def body(p_ref, g_ref, d_ref, b_ref, o_ref):
        agg = (p_ref[0].astype(_f32) + p_ref[1].astype(_f32)
               + g_ref[...].astype(_f32))
        o_ref[...] = agg * d_ref[:, 0:1] + b_ref[...][None, :]

    return pl.pallas_call(
        body,
        out_shape=jax.ShapeDtypeStruct((NP, 16), _f32),
    )(parts2, g2, disf, b2)



@jax.jit
def kernel(features, edge_index, W1, b1, W2, b2):
    src = edge_index[0].astype(_i32)
    dst = edge_index[1].astype(_i32)
    pad = N + (jnp.arange(EPAD - E, dtype=_i32) % (NP - N))
    src3 = jnp.concatenate([src, pad]).reshape(NW, NCH, CH)
    dst3 = jnp.concatenate([dst, pad]).reshape(NW, NCH, CH)

    xpad = jnp.pad(features, ((0, NP - N), (0, 0)))
    zeros16 = jnp.zeros((NP, 16), _f32)
    zeros128 = jnp.zeros((NP, 128), jnp.bfloat16)
    ones16 = jnp.ones((CH, 16), _f32)

    h1 = _tc_matmul(xpad, W1)
    deg_parts = _sc_deg(dst3, zeros16, ones16)
    g1, disf = _tc_prep(h1, deg_parts)
    parts1 = _sc_agg128(g1, src3, dst3, zeros128)
    g2 = _tc_mid(parts1, g1, disf, b1, W2)
    parts2 = _sc_agg16(g2, src3, dst3, zeros16)
    out = _tc_final(parts2, g2, disf, b2)
    return out[:N]

# --- scband reference (transcript-rebuilt; emitter-appended) ---
"""Pipeline reference for scband-supervised-gcnn-81174881894972 (READ-ONLY COPY).

The authoritative reference and input builder live on the scoring server;
editing this copy changes nothing except your own understanding.
"""

import jax, jax.numpy as jnp
import numpy as np

N_NODES = 10000


def gcn_conv(x, src, dst, W, b):
    n = x.shape[0]
    loop = jnp.arange(n, dtype=src.dtype)
    s = jnp.concatenate([src, loop])
    d = jnp.concatenate([dst, loop])
    deg = jnp.zeros((n,), dtype=x.dtype).at[d].add(jnp.ones_like(d, dtype=x.dtype))
    deg_inv_sqrt = jnp.where(deg > 0, jax.lax.rsqrt(jnp.maximum(deg, 1e-12)), 0.0)
    norm = deg_inv_sqrt[s] * deg_inv_sqrt[d]
    h = x @ W
    msg = h[s] * norm[:, None]
    out = jnp.zeros((n, W.shape[1]), dtype=x.dtype).at[d].add(msg)
    return out + b


def setup_inputs(seed: int = 0) -> dict:
    key = jax.random.key(seed)
    k1, k2, k3, k4, k5, k6 = jax.random.split(key, 6)
    features = jax.random.normal(k1, (N_NODES, 128), dtype=jnp.float32)
    edge_index = jax.random.randint(k2, (2, 320000), 0, N_NODES, dtype=jnp.int64)
    W1 = jax.random.normal(k3, (128, 128), dtype=jnp.float32) * (1.0 / np.sqrt(128))
    b1 = jnp.zeros((128,), dtype=jnp.float32)
    W2 = jax.random.normal(k4, (128, 16), dtype=jnp.float32) * (1.0 / np.sqrt(128))
    b2 = jnp.zeros((16,), dtype=jnp.float32)
    return {"features": features, "edge_index": edge_index, "W1": W1, "b1": b1, "W2": W2, "b2": b2}


def reference(features, edge_index, W1, b1, W2, b2):
    src = edge_index[0]
    dst = edge_index[1]
    x = gcn_conv(features, src, dst, W1, b1)
    x = jax.nn.relu(x)
    x = gcn_conv(x, src, dst, W2, b2)
    return x

if __name__ == "__main__":
    import jax
    _d = setup_inputs()
    print(jax.jit(kernel)(*tuple(_d.values())))

</pallas_src>

<mosaic_0001>
#map = affine_map<(d0, d1) -> (0, 0, 0)>
#map1 = affine_map<(d0, d1) -> (0, 0)>
module attributes {stable_mosaic.version = 14 : i64} {
  func.func @_sc_deg(%arg0: i32, %arg1: i32, %arg2: memref<32x80x128xi32, #tpu.memory_space<hbm>>, %arg3: memref<10112x16xf32, #tpu.memory_space<hbm>>, %arg4: memref<128x16xf32, #tpu.memory_space<hbm>>, %arg5: memref<2x10112x16xf32, #tpu.memory_space<hbm>>, %arg6: memref<80x128xi32, #tpu.memory_space<vmem>>, %arg7: memref<128x16xf32, #tpu.memory_space<vmem>>, %arg8: memref<10112x16xf32, #tpu.memory_space<vmem_shared>>) attributes {dimension_semantics = [#tpu.dimension_semantics<core_parallel>, #tpu.dimension_semantics<subcore_parallel>], iteration_bounds = array<i64: 2, 16>, scalar_prefetch = 0 : i64, scratch_operands = 3 : i64, tpu.core_type = #tpu.core_type<sc_vector_subcore>, window_params = [{transform_indices = #map}, {transform_indices = #map1}, {transform_indices = #map1}, {transform_indices = #map}]} {
    %mul3A = arith.constant 16 : i32
    %mul3A_0 = arith.muli %arg0, %mul3A : i32
    %add3A = arith.addi %mul3A_0, %arg1 : i32
    %mul3A_1 = arith.constant 632 : i32
    %mul3A_2 = arith.muli %arg1, %mul3A_1 : i32
    %mul3A_3 = arith.constant 632 : i32
    %mul3A_4 = arith.muli %arg1, %mul3A_3 : i32
    "tpu.region"() ({
      %run_scoped3A = tpu.sem_alloc : memref<!tpu.dma_semaphore, #tpu.memory_space<semaphore_mem>>
      %dma_start3A = arith.constant 0 : i32
      %dma_start3A_15 = tpu.memref_slice %arg8[%mul3A_4, %dma_start3A] : memref<10112x16xf32, #tpu.memory_space<vmem_shared>> -> memref<632x16xf32, #tpu.memory_space<vmem_shared>>
      %dma_start3A_16 = arith.constant 0 : i32
      %dma_start3A_17 = tpu.memref_slice %arg3[%mul3A_2, %dma_start3A_16] : memref<10112x16xf32, #tpu.memory_space<hbm>> -> memref<632x16xf32, #tpu.memory_space<hbm>>
      tpu.enqueue_dma source(%dma_start3A_17 : memref<632x16xf32, #tpu.memory_space<hbm>>) target(%dma_start3A_15 : memref<632x16xf32, #tpu.memory_space<vmem_shared>>) target_semaphore(%run_scoped3A : memref<!tpu.dma_semaphore, #tpu.memory_space<semaphore_mem>>)
      %dma_wait3A = arith.constant 0 : i32
      %dma_wait3A_18 = tpu.memref_slice %arg8[%mul3A_4, %dma_wait3A] : memref<10112x16xf32, #tpu.memory_space<vmem_shared>> -> memref<632x16xf32, #tpu.memory_space<vmem_shared>>
      %dma_wait3A_19 = arith.constant 0 : i32
      %dma_wait3A_20 = tpu.memref_slice %arg3[%mul3A_2, %dma_wait3A_19] : memref<10112x16xf32, #tpu.memory_space<hbm>> -> memref<632x16xf32, #tpu.memory_space<hbm>>
      tpu.wait_dma2 semaphore(%run_scoped3A : memref<!tpu.dma_semaphore, #tpu.memory_space<semaphore_mem>>) src(%dma_wait3A_20 : memref<632x16xf32, #tpu.memory_space<hbm>>) dst(%dma_wait3A_18 : memref<632x16xf32, #tpu.memory_space<vmem_shared>>)
      tpu.yield
    }) : () -> ()
    "tpu.region"() ({
      %run_scoped3A = tpu.sem_alloc : memref<!tpu.dma_semaphore, #tpu.memory_space<semaphore_mem>>
      %dma_start3A = arith.constant 0 : i32
      %dma_start3A_15 = arith.constant 0 : i32
      %dma_start3A_16 = tpu.memref_slice %arg2[%add3A, %dma_start3A, %dma_start3A_15] : memref<32x80x128xi32, #tpu.memory_space<hbm>> -> memref<1x80x128xi32, #tpu.memory_space<hbm>>
      %dma_start3A_17 = tpu.memref_squeeze %dma_start3A_16 : memref<1x80x128xi32, #tpu.memory_space<hbm>> -> memref<80x128xi32, #tpu.memory_space<hbm>>
      %dma_start3A_18 = arith.constant 0 : i32
      %dma_start3A_19 = arith.constant 0 : i32
      %dma_start3A_20 = tpu.memref_slice %arg2[%add3A, %dma_start3A_18, %dma_start3A_19] : memref<32x80x128xi32, #tpu.memory_space<hbm>> -> memref<1x80x128xi32, #tpu.memory_space<hbm>>
      %dma_start3A_21 = tpu.memref_squeeze %dma_start3A_20 : memref<1x80x128xi32, #tpu.memory_space<hbm>> -> memref<80x128xi32, #tpu.memory_space<hbm>>
      tpu.enqueue_dma source(%dma_start3A_21 : memref<80x128xi32, #tpu.memory_space<hbm>>) target(%arg6 : memref<80x128xi32, #tpu.memory_space<vmem>>) target_semaphore(%run_scoped3A : memref<!tpu.dma_semaphore, #tpu.memory_space<semaphore_mem>>)
      %dma_wait3A = arith.constant 0 : i32
      %dma_wait3A_22 = arith.constant 0 : i32
      %dma_wait3A_23 = tpu.memref_slice %arg2[%add3A, %dma_wait3A, %dma_wait3A_22] : memref<32x80x128xi32, #tpu.memory_space<hbm>> -> memref<1x80x128xi32, #tpu.memory_space<hbm>>
      %dma_wait3A_24 = tpu.memref_squeeze %dma_wait3A_23 : memref<1x80x128xi32, #tpu.memory_space<hbm>> -> memref<80x128xi32, #tpu.memory_space<hbm>>
      %dma_wait3A_25 = arith.constant 0 : i32
      %dma_wait3A_26 = arith.constant 0 : i32
      %dma_wait3A_27 = tpu.memref_slice %arg2[%add3A, %dma_wait3A_25, %dma_wait3A_26] : memref<32x80x128xi32, #tpu.memory_space<hbm>> -> memref<1x80x128xi32, #tpu.memory_space<hbm>>
      %dma_wait3A_28 = tpu.memref_squeeze %dma_wait3A_27 : memref<1x80x128xi32, #tpu.memory_space<hbm>> -> memref<80x128xi32, #tpu.memory_space<hbm>>
      tpu.wait_dma2 semaphore(%run_scoped3A : memref<!tpu.dma_semaphore, #tpu.memory_space<semaphore_mem>>) src(%dma_wait3A_28 : memref<80x128xi32, #tpu.memory_space<hbm>>) dst(%arg6 : memref<80x128xi32, #tpu.memory_space<vmem>>)
      tpu.yield
    }) : () -> ()
    "tpu.region"() ({
      %run_scoped3A = tpu.sem_alloc : memref<!tpu.dma_semaphore, #tpu.memory_space<semaphore_mem>>
      tpu.enqueue_dma source(%arg4 : memref<128x16xf32, #tpu.memory_space<hbm>>) target(%arg7 : memref<128x16xf32, #tpu.memory_space<vmem>>) target_semaphore(%run_scoped3A : memref<!tpu.dma_semaphore, #tpu.memory_space<semaphore_mem>>)
      tpu.wait_dma2 semaphore(%run_scoped3A : memref<!tpu.dma_semaphore, #tpu.memory_space<semaphore_mem>>) src(%arg4 : memref<128x16xf32, #tpu.memory_space<hbm>>) dst(%arg7 : memref<128x16xf32, #tpu.memory_space<vmem>>)
      tpu.yield
    }) : () -> ()
    %barrier3A = arith.constant 0 : index
    tpu.barrier barrier_id(%barrier3A)
    %scan3A = arith.constant 0 : i32
    %scan3A_5 = arith.constant 0 : i32
    %scan3A_6 = arith.constant 80 : i32
    %scan3A_7 = arith.addi %scan3A_5, %scan3A_6 : i32
    %scan3A_8 = arith.constant 1 : i32
    scf.for %scan3A_15 = %scan3A_5 to %scan3A_7 step %scan3A_8  : i32 {
      "tpu.region"() ({
        %run_scoped3A = tpu.sem_alloc : memref<!tpu.dma_semaphore, #tpu.memory_space<semaphore_mem>>
        %dma_start3A = arith.constant 0 : i32
        %dma_start3A_16 = tpu.memref_slice %arg6[%scan3A_15, %dma_start3A] : memref<80x128xi32, #tpu.memory_space<vmem>> -> memref<1x128xi32, #tpu.memory_space<vmem>>
        %dma_start3A_17 = tpu.memref_squeeze %dma_start3A_16 : memref<1x128xi32, #tpu.memory_space<vmem>> -> memref<128xi32, #tpu.memory_space<vmem>>
        %dma_start3A_18 = arith.constant 0 : i32
        %dma_start3A_19 = arith.constant 0 : i32
        %dma_start3A_20 = tpu.memref_slice %arg8[%dma_start3A_18, %dma_start3A_19] : memref<10112x16xf32, #tpu.memory_space<vmem_shared>> -> memref<10112x16xf32, #tpu.memory_space<vmem_shared>>
        tpu.enqueue_indirect_dma source(%arg7 : memref<128x16xf32, #tpu.memory_space<vmem>>) target(%dma_start3A_20 : memref<10112x16xf32, #tpu.memory_space<vmem_shared>>) offsets(%dma_start3A_17 : memref<128xi32, #tpu.memory_space<vmem>>) semaphore(%run_scoped3A : memref<!tpu.dma_semaphore, #tpu.memory_space<semaphore_mem>>) {add = true}
        %dma_wait3A = arith.constant 0 : i32
        %dma_wait3A_21 = tpu.memref_slice %arg6[%scan3A_15, %dma_wait3A] : memref<80x128xi32, #tpu.memory_space<vmem>> -> memref<1x128xi32, #tpu.memory_space<vmem>>
        %dma_wait3A_22 = tpu.memref_squeeze %dma_wait3A_21 : memref<1x128xi32, #tpu.memory_space<vmem>> -> memref<128xi32, #tpu.memory_space<vmem>>
        %dma_wait3A_23 = arith.constant 0 : i32
        %dma_wait3A_24 = arith.constant 0 : i32
        %dma_wait3A_25 = tpu.memref_slice %arg8[%dma_wait3A_23, %dma_wait3A_24] : memref<10112x16xf32, #tpu.memory_space<vmem_shared>> -> memref<10112x16xf32, #tpu.memory_space<vmem_shared>>
        tpu.wait_indirect_dma semaphore(%run_scoped3A : memref<!tpu.dma_semaphore, #tpu.memory_space<semaphore_mem>>) src(%arg7 : memref<128x16xf32, #tpu.memory_space<vmem>>) dst(%dma_wait3A_25 : memref<10112x16xf32, #tpu.memory_space<vmem_shared>>)
        tpu.yield
      }) : () -> ()
    }
    %scan3A_9 = arith.constant 80 : i32
    %barrier3A_10 = arith.constant 0 : index
    tpu.barrier barrier_id(%barrier3A_10)
    %mul3A_11 = arith.constant 632 : i32
    %mul3A_12 = arith.muli %arg1, %mul3A_11 : i32
    %mul3A_13 = arith.constant 632 : i32
    %mul3A_14 = arith.muli %arg1, %mul3A_13 : i32
    "tpu.region"() ({
      %run_scoped3A = tpu.sem_alloc : memref<!tpu.dma_semaphore, #tpu.memory_space<semaphore_mem>>
      %dma_start3A = arith.constant 0 : i32
      %dma_start3A_15 = tpu.memref_slice %arg5[%arg0, %mul3A_14, %dma_start3A] : memref<2x10112x16xf32, #tpu.memory_space<hbm>> -> memref<1x632x16xf32, #tpu.memory_space<hbm>>
      %dma_start3A_16 = tpu.memref_squeeze %dma_start3A_15 : memref<1x632x16xf32, #tpu.memory_space<hbm>> -> memref<632x16xf32, #tpu.memory_space<hbm>>
      %dma_start3A_17 = arith.constant 0 : i32
      %dma_start3A_18 = tpu.memref_slice %arg8[%mul3A_12, %dma_start3A_17] : memref<10112x16xf32, #tpu.memory_space<vmem_shared>> -> memref<632x16xf32, #tpu.memory_space<vmem_shared>>
      tpu.enqueue_dma source(%dma_start3A_18 : memref<632x16xf32, #tpu.memory_space<vmem_shared>>) target(%dma_start3A_16 : memref<632x16xf32, #tpu.memory_space<hbm>>) target_semaphore(%run_scoped3A : memref<!tpu.dma_semaphore, #tpu.memory_space<semaphore_mem>>)
      %dma_wait3A = arith.constant 0 : i32
      %dma_wait3A_19 = tpu.memref_slice %arg5[%arg0, %mul3A_14, %dma_wait3A] : memref<2x10112x16xf32, #tpu.memory_space<hbm>> -> memref<1x632x16xf32, #tpu.memory_space<hbm>>
      %dma_wait3A_20 = tpu.memref_squeeze %dma_wait3A_19 : memref<1x632x16xf32, #tpu.memory_space<hbm>> -> memref<632x16xf32, #tpu.memory_space<hbm>>
      %dma_wait3A_21 = arith.constant 0 : i32
      %dma_wait3A_22 = tpu.memref_slice %arg8[%mul3A_12, %dma_wait3A_21] : memref<10112x16xf32, #tpu.memory_space<vmem_shared>> -> memref<632x16xf32, #tpu.memory_space<vmem_shared>>
      tpu.wait_dma2 semaphore(%run_scoped3A : memref<!tpu.dma_semaphore, #tpu.memory_space<semaphore_mem>>) src(%dma_wait3A_22 : memref<632x16xf32, #tpu.memory_space<vmem_shared>>) dst(%dma_wait3A_20 : memref<632x16xf32, #tpu.memory_space<hbm>>)
      tpu.yield
    }) : () -> ()
    return
  }
}

#map = affine_map<(d0, d1) -> (0, 0)>
#map1 = affine_map<(d0, d1) -> (0, 0, 0)>
module attributes {stable_mosaic.version = 14 : i64} {
  func.func @agg(%arg0: i32, %arg1: i32, %arg2: memref<10112x128xbf16, #tpu.memory_space<hbm>>, %arg3: memref<32x80x128xi32, #tpu.memory_space<hbm>>, %arg4: memref<32x80x128xi32, #tpu.memory_space<hbm>>, %arg5: memref<10112x128xbf16, #tpu.memory_space<hbm>>, %arg6: memref<2x10112x128xbf16, #tpu.memory_space<hbm>>, %arg7: memref<80x128xi32, #tpu.memory_space<vmem>>, %arg8: memref<80x128xi32, #tpu.memory_space<vmem>>, %arg9: memref<4x128x128xbf16, #tpu.memory_space<vmem>>, %arg10: memref<10112x128xbf16, #tpu.memory_space<vmem_shared>>, %arg11: memref<!tpu.dma_semaphore, #tpu.memory_space<semaphore_mem>>, %arg12: memref<!tpu.dma_semaphore, #tpu.memory_space<semaphore_mem>>, %arg13: memref<!tpu.dma_semaphore, #tpu.memory_space<semaphore_mem>>, %arg14: memref<!tpu.dma_semaphore, #tpu.memory_space<semaphore_mem>>) attributes {dimension_semantics = [#tpu.dimension_semantics<core_parallel>, #tpu.dimension_semantics<subcore_parallel>], iteration_bounds = array<i64: 2, 16>, scalar_prefetch = 0 : i64, scratch_operands = 8 : i64, tpu.core_type = #tpu.core_type<sc_vector_subcore>, window_params = [{transform_indices = #map}, {transform_indices = #map1}, {transform_indices = #map1}, {transform_indices = #map}, {transform_indices = #map1}]} {
    %mul3A = arith.constant 16 : i32
    %mul3A_0 = arith.muli %arg0, %mul3A : i32
    %add3A = arith.addi %mul3A_0, %arg1 : i32
    %mul3A_1 = arith.constant 632 : i32
    %mul3A_2 = arith.muli %arg1, %mul3A_1 : i32
    %mul3A_3 = arith.constant 632 : i32
    %mul3A_4 = arith.muli %arg1, %mul3A_3 : i32
    "tpu.region"() ({
      %run_scoped3A_116 = tpu.sem_alloc : memref<!tpu.dma_semaphore, #tpu.memory_space<semaphore_mem>>
      %dma_start3A_117 = arith.constant 0 : i32
      %dma_start3A_118 = tpu.memref_slice %arg10[%mul3A_4, %dma_start3A_117] : memref<10112x128xbf16, #tpu.memory_space<vmem_shared>> -> memref<632x128xbf16, #tpu.memory_space<vmem_shared>>
      %dma_start3A_119 = arith.constant 0 : i32
      %dma_start3A_120 = tpu.memref_slice %arg5[%mul3A_2, %dma_start3A_119] : memref<10112x128xbf16, #tpu.memory_space<hbm>> -> memref<632x128xbf16, #tpu.memory_space<hbm>>
      tpu.enqueue_dma source(%dma_start3A_120 : memref<632x128xbf16, #tpu.memory_space<hbm>>) target(%dma_start3A_118 : memref<632x128xbf16, #tpu.memory_space<vmem_shared>>) target_semaphore(%run_scoped3A_116 : memref<!tpu.dma_semaphore, #tpu.memory_space<semaphore_mem>>)
      %dma_wait3A_121 = arith.constant 0 : i32
      %dma_wait3A_122 = tpu.memref_slice %arg10[%mul3A_4, %dma_wait3A_121] : memref<10112x128xbf16, #tpu.memory_space<vmem_shared>> -> memref<632x128xbf16, #tpu.memory_space<vmem_shared>>
      %dma_wait3A_123 = arith.constant 0 : i32
      %dma_wait3A_124 = tpu.memref_slice %arg5[%mul3A_2, %dma_wait3A_123] : memref<10112x128xbf16, #tpu.memory_space<hbm>> -> memref<632x128xbf16, #tpu.memory_space<hbm>>
      tpu.wait_dma2 semaphore(%run_scoped3A_116 : memref<!tpu.dma_semaphore, #tpu.memory_space<semaphore_mem>>) src(%dma_wait3A_124 : memref<632x128xbf16, #tpu.memory_space<hbm>>) dst(%dma_wait3A_122 : memref<632x128xbf16, #tpu.memory_space<vmem_shared>>)
      tpu.yield
    }) : () -> ()
    "tpu.region"() ({
      %run_scoped3A_116 = tpu.sem_alloc : memref<!tpu.dma_semaphore, #tpu.memory_space<semaphore_mem>>
      %dma_start3A_117 = arith.constant 0 : i32
      %dma_start3A_118 = arith.constant 0 : i32
      %dma_start3A_119 = tpu.memref_slice %arg3[%add3A, %dma_start3A_117, %dma_start3A_118] : memref<32x80x128xi32, #tpu.memory_space<hbm>> -> memref<1x80x128xi32, #tpu.memory_space<hbm>>
      %dma_start3A_120 = tpu.memref_squeeze %dma_start3A_119 : memref<1x80x128xi32, #tpu.memory_space<hbm>> -> memref<80x128xi32, #tpu.memory_space<hbm>>
      %dma_start3A_121 = arith.constant 0 : i32
      %dma_start3A_122 = arith.constant 0 : i32
      %dma_start3A_123 = tpu.memref_slice %arg3[%add3A, %dma_start3A_121, %dma_start3A_122] : memref<32x80x128xi32, #tpu.memory_space<hbm>> -> memref<1x80x128xi32, #tpu.memory_space<hbm>>
      %dma_start3A_124 = tpu.memref_squeeze %dma_start3A_123 : memref<1x80x128xi32, #tpu.memory_space<hbm>> -> memref<80x128xi32, #tpu.memory_space<hbm>>
      tpu.enqueue_dma source(%dma_start3A_124 : memref<80x128xi32, #tpu.memory_space<hbm>>) target(%arg7 : memref<80x128xi32, #tpu.memory_space<vmem>>) target_semaphore(%run_scoped3A_116 : memref<!tpu.dma_semaphore, #tpu.memory_space<semaphore_mem>>)
      %dma_wait3A_125 = arith.constant 0 : i32
      %dma_wait3A_126 = arith.constant 0 : i32
      %dma_wait3A_127 = tpu.memref_slice %arg3[%add3A, %dma_wait3A_125, %dma_wait3A_126] : memref<32x80x128xi32, #tpu.memory_space<hbm>> -> memref<1x80x128xi32, #tpu.memory_space<hbm>>
      %dma_wait3A_128 = tpu.memref_squeeze %dma_wait3A_127 : memref<1x80x128xi32, #tpu.memory_space<hbm>> -> memref<80x128xi32, #tpu.memory_space<hbm>>
      %dma_wait3A_129 = arith.constant 0 : i32
      %dma_wait3A_130 = arith.constant 0 : i32
      %dma_wait3A_131 = tpu.memref_slice %arg3[%add3A, %dma_wait3A_129, %dma_wait3A_130] : memref<32x80x128xi32, #tpu.memory_space<hbm>> -> memref<1x80x128xi32, #tpu.memory_space<hbm>>
      %dma_wait3A_132 = tpu.memref_squeeze %dma_wait3A_131 : memref<1x80x128xi32, #tpu.memory_space<hbm>> -> memref<80x128xi32, #tpu.memory_space<hbm>>
      tpu.wait_dma2 semaphore(%run_scoped3A_116 : memref<!tpu.dma_semaphore, #tpu.memory_space<semaphore_mem>>) src(%dma_wait3A_132 : memref<80x128xi32, #tpu.memory_space<hbm>>) dst(%arg7 : memref<80x128xi32, #tpu.memory_space<vmem>>)
      tpu.yield
    }) : () -> ()
    "tpu.region"() ({
      %run_scoped3A_116 = tpu.sem_alloc : memref<!tpu.dma_semaphore, #tpu.memory_space<semaphore_mem>>
      %dma_start3A_117 = arith.constant 0 : i32
      %dma_start3A_118 = arith.constant 0 : i32
      %dma_start3A_119 = tpu.memref_slice %arg4[%add3A, %dma_start3A_117, %dma_start3A_118] : memref<32x80x128xi32, #tpu.memory_space<hbm>> -> memref<1x80x128xi32, #tpu.memory_space<hbm>>
      %dma_start3A_120 = tpu.memref_squeeze %dma_start3A_119 : memref<1x80x128xi32, #tpu.memory_space<hbm>> -> memref<80x128xi32, #tpu.memory_space<hbm>>
      %dma_start3A_121 = arith.constant 0 : i32
      %dma_start3A_122 = arith.constant 0 : i32
      %dma_start3A_123 = tpu.memref_slice %arg4[%add3A, %dma_start3A_121, %dma_start3A_122] : memref<32x80x128xi32, #tpu.memory_space<hbm>> -> memref<1x80x128xi32, #tpu.memory_space<hbm>>
      %dma_start3A_124 = tpu.memref_squeeze %dma_start3A_123 : memref<1x80x128xi32, #tpu.memory_space<hbm>> -> memref<80x128xi32, #tpu.memory_space<hbm>>
      tpu.enqueue_dma source(%dma_start3A_124 : memref<80x128xi32, #tpu.memory_space<hbm>>) target(%arg8 : memref<80x128xi32, #tpu.memory_space<vmem>>) target_semaphore(%run_scoped3A_116 : memref<!tpu.dma_semaphore, #tpu.memory_space<semaphore_mem>>)
      %dma_wait3A_125 = arith.constant 0 : i32
      %dma_wait3A_126 = arith.constant 0 : i32
      %dma_wait3A_127 = tpu.memref_slice %arg4[%add3A, %dma_wait3A_125, %dma_wait3A_126] : memref<32x80x128xi32, #tpu.memory_space<hbm>> -> memref<1x80x128xi32, #tpu.memory_space<hbm>>
      %dma_wait3A_128 = tpu.memref_squeeze %dma_wait3A_127 : memref<1x80x128xi32, #tpu.memory_space<hbm>> -> memref<80x128xi32, #tpu.memory_space<hbm>>
      %dma_wait3A_129 = arith.constant 0 : i32
      %dma_wait3A_130 = arith.constant 0 : i32
      %dma_wait3A_131 = tpu.memref_slice %arg4[%add3A, %dma_wait3A_129, %dma_wait3A_130] : memref<32x80x128xi32, #tpu.memory_space<hbm>> -> memref<1x80x128xi32, #tpu.memory_space<hbm>>
      %dma_wait3A_132 = tpu.memref_squeeze %dma_wait3A_131 : memref<1x80x128xi32, #tpu.memory_space<hbm>> -> memref<80x128xi32, #tpu.memory_space<hbm>>
      tpu.wait_dma2 semaphore(%run_scoped3A_116 : memref<!tpu.dma_semaphore, #tpu.memory_space<semaphore_mem>>) src(%dma_wait3A_132 : memref<80x128xi32, #tpu.memory_space<hbm>>) dst(%arg8 : memref<80x128xi32, #tpu.memory_space<vmem>>)
      tpu.yield
    }) : () -> ()
    %barrier3A = arith.constant 0 : index
    tpu.barrier barrier_id(%barrier3A)
    %dma_start3A = arith.constant 0 : i32
    %dma_start3A_5 = arith.constant 0 : i32
    %dma_start3A_6 = arith.constant 0 : i32
    %dma_start3A_7 = arith.constant 0 : i32
    %dma_start3A_8 = tpu.memref_slice %arg9[%dma_start3A_5, %dma_start3A_6, %dma_start3A_7] : memref<4x128x128xbf16, #tpu.memory_space<vmem>> -> memref<1x128x128xbf16, #tpu.memory_space<vmem>>
    %dma_start3A_9 = tpu.memref_squeeze %dma_start3A_8 : memref<1x128x128xbf16, #tpu.memory_space<vmem>> -> memref<128x128xbf16, #tpu.memory_space<vmem>>
    %dma_start3A_10 = arith.constant 0 : i32
    %dma_start3A_11 = tpu.memref_slice %arg7[%dma_start3A, %dma_start3A_10] : memref<80x128xi32, #tpu.memory_space<vmem>> -> memref<1x128xi32, #tpu.memory_space<vmem>>
    %dma_start3A_12 = tpu.memref_squeeze %dma_start3A_11 : memref<1x128xi32, #tpu.memory_space<vmem>> -> memref<128xi32, #tpu.memory_space<vmem>>
    %dma_start3A_13 = arith.constant 0 : i32
    %dma_start3A_14 = arith.constant 0 : i32
    %dma_start3A_15 = tpu.memref_slice %arg2[%dma_start3A_13, %dma_start3A_14] : memref<10112x128xbf16, #tpu.memory_space<hbm>> -> memref<10112x128xbf16, #tpu.memory_space<hbm>>
    tpu.enqueue_indirect_dma source(%dma_start3A_15 : memref<10112x128xbf16, #tpu.memory_space<hbm>>) target(%dma_start3A_9 : memref<128x128xbf16, #tpu.memory_space<vmem>>) offsets(%dma_start3A_12 : memref<128xi32, #tpu.memory_space<vmem>>) semaphore(%arg11 : memref<!tpu.dma_semaphore, #tpu.memory_space<semaphore_mem>>)
    %dma_start3A_16 = arith.constant 1 : i32
    %dma_start3A_17 = arith.constant 1 : i32
    %dma_start3A_18 = arith.constant 0 : i32
    %dma_start3A_19 = arith.constant 0 : i32
    %dma_start3A_20 = tpu.memref_slice %arg9[%dma_start3A_17, %dma_start3A_18, %dma_start3A_19] : memref<4x128x128xbf16, #tpu.memory_space<vmem>> -> memref<1x128x128xbf16, #tpu.memory_space<vmem>>
    %dma_start3A_21 = tpu.memref_squeeze %dma_start3A_20 : memref<1x128x128xbf16, #tpu.memory_space<vmem>> -> memref<128x128xbf16, #tpu.memory_space<vmem>>
    %dma_start3A_22 = arith.constant 0 : i32
    %dma_start3A_23 = tpu.memref_slice %arg7[%dma_start3A_16, %dma_start3A_22] : memref<80x128xi32, #tpu.memory_space<vmem>> -> memref<1x128xi32, #tpu.memory_space<vmem>>
    %dma_start3A_24 = tpu.memref_squeeze %dma_start3A_23 : memref<1x128xi32, #tpu.memory_space<vmem>> -> memref<128xi32, #tpu.memory_space<vmem>>
    %dma_start3A_25 = arith.constant 0 : i32
    %dma_start3A_26 = arith.constant 0 : i32
    %dma_start3A_27 = tpu.memref_slice %arg2[%dma_start3A_25, %dma_start3A_26] : memref<10112x128xbf16, #tpu.memory_space<hbm>> -> memref<10112x128xbf16, #tpu.memory_space<hbm>>
    tpu.enqueue_indirect_dma source(%dma_start3A_27 : memref<10112x128xbf16, #tpu.memory_space<hbm>>) target(%dma_start3A_21 : memref<128x128xbf16, #tpu.memory_space<vmem>>) offsets(%dma_start3A_24 : memref<128xi32, #tpu.memory_space<vmem>>) semaphore(%arg12 : memref<!tpu.dma_semaphore, #tpu.memory_space<semaphore_mem>>)
    %dma_start3A_28 = arith.constant 2 : i32
    %dma_start3A_29 = arith.constant 2 : i32
    %dma_start3A_30 = arith.constant 0 : i32
    %dma_start3A_31 = arith.constant 0 : i32
    %dma_start3A_32 = tpu.memref_slice %arg9[%dma_start3A_29, %dma_start3A_30, %dma_start3A_31] : memref<4x128x128xbf16, #tpu.memory_space<vmem>> -> memref<1x128x128xbf16, #tpu.memory_space<vmem>>
    %dma_start3A_33 = tpu.memref_squeeze %dma_start3A_32 : memref<1x128x128xbf16, #tpu.memory_space<vmem>> -> memref<128x128xbf16, #tpu.memory_space<vmem>>
    %dma_start3A_34 = arith.constant 0 : i32
    %dma_start3A_35 = tpu.memref_slice %arg7[%dma_start3A_28, %dma_start3A_34] : memref<80x128xi32, #tpu.memory_space<vmem>> -> memref<1x128xi32, #tpu.memory_space<vmem>>
    %dma_start3A_36 = tpu.memref_squeeze %dma_start3A_35 : memref<1x128xi32, #tpu.memory_space<vmem>> -> memref<128xi32, #tpu.memory_space<vmem>>
    %dma_start3A_37 = arith.constant 0 : i32
    %dma_start3A_38 = arith.constant 0 : i32
    %dma_start3A_39 = tpu.memref_slice %arg2[%dma_start3A_37, %dma_start3A_38] : memref<10112x128xbf16, #tpu.memory_space<hbm>> -> memref<10112x128xbf16, #tpu.memory_space<hbm>>
    tpu.enqueue_indirect_dma source(%dma_start3A_39 : memref<10112x128xbf16, #tpu.memory_space<hbm>>) target(%dma_start3A_33 : memref<128x128xbf16, #tpu.memory_space<vmem>>) offsets(%dma_start3A_36 : memref<128xi32, #tpu.memory_space<vmem>>) semaphore(%arg13 : memref<!tpu.dma_semaphore, #tpu.memory_space<semaphore_mem>>)
    %dma_start3A_40 = arith.constant 3 : i32
    %dma_start3A_41 = arith.constant 3 : i32
    %dma_start3A_42 = arith.constant 0 : i32
    %dma_start3A_43 = arith.constant 0 : i32
    %dma_start3A_44 = tpu.memref_slice %arg9[%dma_start3A_41, %dma_start3A_42, %dma_start3A_43] : memref<4x128x128xbf16, #tpu.memory_space<vmem>> -> memref<1x128x128xbf16, #tpu.memory_space<vmem>>
    %dma_start3A_45 = tpu.memref_squeeze %dma_start3A_44 : memref<1x128x128xbf16, #tpu.memory_space<vmem>> -> memref<128x128xbf16, #tpu.memory_space<vmem>>
    %dma_start3A_46 = arith.constant 0 : i32
    %dma_start3A_47 = tpu.memref_slice %arg7[%dma_start3A_40, %dma_start3A_46] : memref<80x128xi32, #tpu.memory_space<vmem>> -> memref<1x128xi32, #tpu.memory_space<vmem>>
    %dma_start3A_48 = tpu.memref_squeeze %dma_start3A_47 : memref<1x128xi32, #tpu.memory_space<vmem>> -> memref<128xi32, #tpu.memory_space<vmem>>
    %dma_start3A_49 = arith.constant 0 : i32
    %dma_start3A_50 = arith.constant 0 : i32
    %dma_start3A_51 = tpu.memref_slice %arg2[%dma_start3A_49, %dma_start3A_50] : memref<10112x128xbf16, #tpu.memory_space<hbm>> -> memref<10112x128xbf16, #tpu.memory_space<hbm>>
    tpu.enqueue_indirect_dma source(%dma_start3A_51 : memref<10112x128xbf16, #tpu.memory_space<hbm>>) target(%dma_start3A_45 : memref<128x128xbf16, #tpu.memory_space<vmem>>) offsets(%dma_start3A_48 : memref<128xi32, #tpu.memory_space<vmem>>) semaphore(%arg14 : memref<!tpu.dma_semaphore, #tpu.memory_space<semaphore_mem>>)
    %scan3A = arith.constant 0 : i32
    %scan3A_52 = arith.constant 0 : i32
    %scan3A_53 = arith.constant 19 : i32
    %scan3A_54 = arith.addi %scan3A_52, %scan3A_53 : i32
    %scan3A_55 = arith.constant 1 : i32
    scf.for %scan3A_116 = %scan3A_52 to %scan3A_54 step %scan3A_55  : i32 {
      %mul3A_117 = arith.constant 4 : i32
      %mul3A_118 = arith.muli %mul3A_117, %scan3A_116 : i32
      %add3A_119 = arith.constant 0 : i32
      %add3A_120 = arith.addi %mul3A_118, %add3A_119 : i32
      %dma_wait3A_121 = arith.constant 0 : i32
      %dma_wait3A_122 = arith.constant 0 : i32
      %dma_wait3A_123 = arith.constant 0 : i32
      %dma_wait3A_124 = tpu.memref_slice %arg9[%dma_wait3A_121, %dma_wait3A_122, %dma_wait3A_123] : memref<4x128x128xbf16, #tpu.memory_space<vmem>> -> memref<1x128x128xbf16, #tpu.memory_space<vmem>>
      %dma_wait3A_125 = tpu.memref_squeeze %dma_wait3A_124 : memref<1x128x128xbf16, #tpu.memory_space<vmem>> -> memref<128x128xbf16, #tpu.memory_space<vmem>>
      %dma_wait3A_126 = arith.constant 0 : i32
      %dma_wait3A_127 = tpu.memref_slice %arg7[%add3A_120, %dma_wait3A_126] : memref<80x128xi32, #tpu.memory_space<vmem>> -> memref<1x128xi32, #tpu.memory_space<vmem>>
      %dma_wait3A_128 = tpu.memref_squeeze %dma_wait3A_127 : memref<1x128xi32, #tpu.memory_space<vmem>> -> memref<128xi32, #tpu.memory_space<vmem>>
      %dma_wait3A_129 = arith.constant 0 : i32
      %dma_wait3A_130 = arith.constant 0 : i32
      %dma_wait3A_131 = tpu.memref_slice %arg2[%dma_wait3A_129, %dma_wait3A_130] : memref<10112x128xbf16, #tpu.memory_space<hbm>> -> memref<10112x128xbf16, #tpu.memory_space<hbm>>
      tpu.wait_indirect_dma semaphore(%arg11 : memref<!tpu.dma_semaphore, #tpu.memory_space<semaphore_mem>>) src(%dma_wait3A_131 : memref<10112x128xbf16, #tpu.memory_space<hbm>>) dst(%dma_wait3A_125 : memref<128x128xbf16, #tpu.memory_space<vmem>>)
      %run_scoped3A_132 = arith.constant 0 : i32
      "tpu.region"() ({
        %run_scoped3A_233 = tpu.sem_alloc : memref<!tpu.dma_semaphore, #tpu.memory_space<semaphore_mem>>
        %dma_start3A_234 = arith.constant 0 : i32
        %dma_start3A_235 = arith.constant 0 : i32
        %dma_start3A_236 = tpu.memref_slice %arg9[%run_scoped3A_132, %dma_start3A_234, %dma_start3A_235] : memref<4x128x128xbf16, #tpu.memory_space<vmem>> -> memref<1x128x128xbf16, #tpu.memory_space<vmem>>
        %dma_start3A_237 = tpu.memref_squeeze %dma_start3A_236 : memref<1x128x128xbf16, #tpu.memory_space<vmem>> -> memref<128x128xbf16, #tpu.memory_space<vmem>>
        %dma_start3A_238 = arith.constant 0 : i32
        %dma_start3A_239 = tpu.memref_slice %arg8[%add3A_120, %dma_start3A_238] : memref<80x128xi32, #tpu.memory_space<vmem>> -> memref<1x128xi32, #tpu.memory_space<vmem>>
        %dma_start3A_240 = tpu.memref_squeeze %dma_start3A_239 : memref<1x128xi32, #tpu.memory_space<vmem>> -> memref<128xi32, #tpu.memory_space<vmem>>
        %dma_start3A_241 = arith.constant 0 : i32
        %dma_start3A_242 = arith.constant 0 : i32
        %dma_start3A_243 = tpu.memref_slice %arg10[%dma_start3A_241, %dma_start3A_242] : memref<10112x128xbf16, #tpu.memory_space<vmem_shared>> -> memref<10112x128xbf16, #tpu.memory_space<vmem_shared>>
        tpu.enqueue_indirect_dma source(%dma_start3A_237 : memref<128x128xbf16, #tpu.memory_space<vmem>>) target(%dma_start3A_243 : memref<10112x128xbf16, #tpu.memory_space<vmem_shared>>) offsets(%dma_start3A_240 : memref<128xi32, #tpu.memory_space<vmem>>) semaphore(%run_scoped3A_233 : memref<!tpu.dma_semaphore, #tpu.memory_space<semaphore_mem>>) {add = true}
        %dma_wait3A_244 = arith.constant 0 : i32
        %dma_wait3A_245 = arith.constant 0 : i32
        %dma_wait3A_246 = tpu.memref_slice %arg9[%run_scoped3A_132, %dma_wait3A_244, %dma_wait3A_245] : memref<4x128x128xbf16, #tpu.memory_space<vmem>> -> memref<1x128x128xbf16, #tpu.memory_space<vmem>>
        %dma_wait3A_247 = tpu.memref_squeeze %dma_wait3A_246 : memref<1x128x128xbf16, #tpu.memory_space<vmem>> -> memref<128x128xbf16, #tpu.memory_space<vmem>>
        %dma_wait3A_248 = arith.constant 0 : i32
        %dma_wait3A_249 = tpu.memref_slice %arg8[%add3A_120, %dma_wait3A_248] : memref<80x128xi32, #tpu.memory_space<vmem>> -> memref<1x128xi32, #tpu.memory_space<vmem>>
        %dma_wait3A_250 = tpu.memref_squeeze %dma_wait3A_249 : memref<1x128xi32, #tpu.memory_space<vmem>> -> memref<128xi32, #tpu.memory_space<vmem>>
        %dma_wait3A_251 = arith.constant 0 : i32
        %dma_wait3A_252 = arith.constant 0 : i32
        %dma_wait3A_253 = tpu.memref_slice %arg10[%dma_wait3A_251, %dma_wait3A_252] : memref<10112x128xbf16, #tpu.memory_space<vmem_shared>> -> memref<10112x128xbf16, #tpu.memory_space<vmem_shared>>
        tpu.wait_indirect_dma semaphore(%run_scoped3A_233 : memref<!tpu.dma_semaphore, #tpu.memory_space<semaphore_mem>>) src(%dma_wait3A_247 : memref<128x128xbf16, #tpu.memory_space<vmem>>) dst(%dma_wait3A_253 : memref<10112x128xbf16, #tpu.memory_space<vmem_shared>>)
        tpu.yield
      }) : () -> ()
      %add3A_133 = arith.constant 4 : i32
      %add3A_134 = arith.addi %add3A_120, %add3A_133 : i32
      %dma_start3A_135 = arith.constant 0 : i32
      %dma_start3A_136 = arith.constant 0 : i32
      %dma_start3A_137 = arith.constant 0 : i32
      %dma_start3A_138 = tpu.memref_slice %arg9[%dma_start3A_135, %dma_start3A_136, %dma_start3A_137] : memref<4x128x128xbf16, #tpu.memory_space<vmem>> -> memref<1x128x128xbf16, #tpu.memory_space<vmem>>
      %dma_start3A_139 = tpu.memref_squeeze %dma_start3A_138 : memref<1x128x128xbf16, #tpu.memory_space<vmem>> -> memref<128x128xbf16, #tpu.memory_space<vmem>>
      %dma_start3A_140 = arith.constant 0 : i32
      %dma_start3A_141 = tpu.memref_slice %arg7[%add3A_134, %dma_start3A_140] : memref<80x128xi32, #tpu.memory_space<vmem>> -> memref<1x128xi32, #tpu.memory_space<vmem>>
      %dma_start3A_142 = tpu.memref_squeeze %dma_start3A_141 : memref<1x128xi32, #tpu.memory_space<vmem>> -> memref<128xi32, #tpu.memory_space<vmem>>
      %dma_start3A_143 = arith.constant 0 : i32
      %dma_start3A_144 = arith.constant 0 : i32
      %dma_start3A_145 = tpu.memref_slice %arg2[%dma_start3A_143, %dma_start3A_144] : memref<10112x128xbf16, #tpu.memory_space<hbm>> -> memref<10112x128xbf16, #tpu.memory_space<hbm>>
      tpu.enqueue_indirect_dma source(%dma_start3A_145 : memref<10112x128xbf16, #tpu.memory_space<hbm>>) target(%dma_start3A_139 : memref<128x128xbf16, #tpu.memory_space<vmem>>) offsets(%dma_start3A_142 : memref<128xi32, #tpu.memory_space<vmem>>) semaphore(%arg11 : memref<!tpu.dma_semaphore, #tpu.memory_space<semaphore_mem>>)
      %mul3A_146 = arith.constant 4 : i32
      %mul3A_147 = arith.muli %mul3A_146, %scan3A_116 : i32
      %add3A_148 = arith.constant 1 : i32
      %add3A_149 = arith.addi %mul3A_147, %add3A_148 : i32
      %dma_wait3A_150 = arith.constant 1 : i32
      %dma_wait3A_151 = arith.constant 0 : i32
      %dma_wait3A_152 = arith.constant 0 : i32
      %dma_wait3A_153 = tpu.memref_slice %arg9[%dma_wait3A_150, %dma_wait3A_151, %dma_wait3A_152] : memref<4x128x128xbf16, #tpu.memory_space<vmem>> -> memref<1x128x128xbf16, #tpu.memory_space<vmem>>
      %dma_wait3A_154 = tpu.memref_squeeze %dma_wait3A_153 : memref<1x128x128xbf16, #tpu.memory_space<vmem>> -> memref<128x128xbf16, #tpu.memory_space<vmem>>
      %dma_wait3A_155 = arith.constant 0 : i32
      %dma_wait3A_156 = tpu.memref_slice %arg7[%add3A_149, %dma_wait3A_155] : memref<80x128xi32, #tpu.memory_space<vmem>> -> memref<1x128xi32, #tpu.memory_space<vmem>>
      %dma_wait3A_157 = tpu.memref_squeeze %dma_wait3A_156 : memref<1x128xi32, #tpu.memory_space<vmem>> -> memref<128xi32, #tpu.memory_space<vmem>>
      %dma_wait3A_158 = arith.constant 0 : i32
      %dma_wait3A_159 = arith.constant 0 : i32
      %dma_wait3A_160 = tpu.memref_slice %arg2[%dma_wait3A_158, %dma_wait3A_159] : memref<10112x128xbf16, #tpu.memory_space<hbm>> -> memref<10112x128xbf16, #tpu.memory_space<hbm>>
      tpu.wait_indirect_dma semaphore(%arg12 : memref<!tpu.dma_semaphore, #tpu.memory_space<semaphore_mem>>) src(%dma_wait3A_160 : memref<10112x128xbf16, #tpu.memory_space<hbm>>) dst(%dma_wait3A_154 : memref<128x128xbf16, #tpu.memory_space<vmem>>)
      %run_scoped3A_161 = arith.constant 1 : i32
      "tpu.region"() ({
        %run_scoped3A_233 = tpu.sem_alloc : memref<!tpu.dma_semaphore, #tpu.memory_space<semaphore_mem>>
        %dma_start3A_234 = arith.constant 0 : i32
        %dma_start3A_235 = arith.constant 0 : i32
        %dma_start3A_236 = tpu.memref_slice %arg9[%run_scoped3A_161, %dma_start3A_234, %dma_start3A_235] : memref<4x128x128xbf16, #tpu.memory_space<vmem>> -> memref<1x128x128xbf16, #tpu.memory_space<vmem>>
        %dma_start3A_237 = tpu.memref_squeeze %dma_start3A_236 : memref<1x128x128xbf16, #tpu.memory_space<vmem>> -> memref<128x128xbf16, #tpu.memory_space<vmem>>
        %dma_start3A_238 = arith.constant 0 : i32
        %dma_start3A_239 = tpu.memref_slice %arg8[%add3A_149, %dma_start3A_238] : memref<80x128xi32, #tpu.memory_space<vmem>> -> memref<1x128xi32, #tpu.memory_space<vmem>>
        %dma_start3A_240 = tpu.memref_squeeze %dma_start3A_239 : memref<1x128xi32, #tpu.memory_space<vmem>> -> memref<128xi32, #tpu.memory_space<vmem>>
        %dma_start3A_241 = arith.constant 0 : i32
        %dma_start3A_242 = arith.constant 0 : i32
        %dma_start3A_243 = tpu.memref_slice %arg10[%dma_start3A_241, %dma_start3A_242] : memref<10112x128xbf16, #tpu.memory_space<vmem_shared>> -> memref<10112x128xbf16, #tpu.memory_space<vmem_shared>>
        tpu.enqueue_indirect_dma source(%dma_start3A_237 : memref<128x128xbf16, #tpu.memory_space<vmem>>) target(%dma_start3A_243 : memref<10112x128xbf16, #tpu.memory_space<vmem_shared>>) offsets(%dma_start3A_240 : memref<128xi32, #tpu.memory_space<vmem>>) semaphore(%run_scoped3A_233 : memref<!tpu.dma_semaphore, #tpu.memory_space<semaphore_mem>>) {add = true}
        %dma_wait3A_244 = arith.constant 0 : i32
        %dma_wait3A_245 = arith.constant 0 : i32
        %dma_wait3A_246 = tpu.memref_slice %arg9[%run_scoped3A_161, %dma_wait3A_244, %dma_wait3A_245] : memref<4x128x128xbf16, #tpu.memory_space<vmem>> -> memref<1x128x128xbf16, #tpu.memory_space<vmem>>
        %dma_wait3A_247 = tpu.memref_squeeze %dma_wait3A_246 : memref<1x128x128xbf16, #tpu.memory_space<vmem>> -> memref<128x128xbf16, #tpu.memory_space<vmem>>
        %dma_wait3A_248 = arith.constant 0 : i32
        %dma_wait3A_249 = tpu.memref_slice %arg8[%add3A_149, %dma_wait3A_248] : memref<80x128xi32, #tpu.memory_space<vmem>> -> memref<1x128xi32, #tpu.memory_space<vmem>>
        %dma_wait3A_250 = tpu.memref_squeeze %dma_wait3A_249 : memref<1x128xi32, #tpu.memory_space<vmem>> -> memref<128xi32, #tpu.memory_space<vmem>>
        %dma_wait3A_251 = arith.constant 0 : i32
        %dma_wait3A_252 = arith.constant 0 : i32
        %dma_wait3A_253 = tpu.memref_slice %arg10[%dma_wait3A_251, %dma_wait3A_252] : memref<10112x128xbf16, #tpu.memory_space<vmem_shared>> -> memref<10112x128xbf16, #tpu.memory_space<vmem_shared>>
        tpu.wait_indirect_dma semaphore(%run_scoped3A_233 : memref<!tpu.dma_semaphore, #tpu.memory_space<semaphore_mem>>) src(%dma_wait3A_247 : memref<128x128xbf16, #tpu.memory_space<vmem>>) dst(%dma_wait3A_253 : memref<10112x128xbf16, #tpu.memory_space<vmem_shared>>)
        tpu.yield
      }) : () -> ()
      %add3A_162 = arith.constant 4 : i32
      %add3A_163 = arith.addi %add3A_149, %add3A_162 : i32
      %dma_start3A_164 = arith.constant 1 : i32
      %dma_start3A_165 = arith.constant 0 : i32
      %dma_start3A_166 = arith.constant 0 : i32
      %dma_start3A_167 = tpu.memref_slice %arg9[%dma_start3A_164, %dma_start3A_165, %dma_start3A_166] : memref<4x128x128xbf16, #tpu.memory_space<vmem>> -> memref<1x128x128xbf16, #tpu.memory_space<vmem>>
      %dma_start3A_168 = tpu.memref_squeeze %dma_start3A_167 : memref<1x128x128xbf16, #tpu.memory_space<vmem>> -> memref<128x128xbf16, #tpu.memory_space<vmem>>
      %dma_start3A_169 = arith.constant 0 : i32
      %dma_start3A_170 = tpu.memref_slice %arg7[%add3A_163, %dma_start3A_169] : memref<80x128xi32, #tpu.memory_space<vmem>> -> memref<1x128xi32, #tpu.memory_space<vmem>>
      %dma_start3A_171 = tpu.memref_squeeze %dma_start3A_170 : memref<1x128xi32, #tpu.memory_space<vmem>> -> memref<128xi32, #tpu.memory_space<vmem>>
      %dma_start3A_172 = arith.constant 0 : i32
      %dma_start3A_173 = arith.constant 0 : i32
      %dma_start3A_174 = tpu.memref_slice %arg2[%dma_start3A_172, %dma_start3A_173] : memref<10112x128xbf16, #tpu.memory_space<hbm>> -> memref<10112x128xbf16, #tpu.memory_space<hbm>>
      tpu.enqueue_indirect_dma source(%dma_start3A_174 : memref<10112x128xbf16, #tpu.memory_space<hbm>>) target(%dma_start3A_168 : memref<128x128xbf16, #tpu.memory_space<vmem>>) offsets(%dma_start3A_171 : memref<128xi32, #tpu.memory_space<vmem>>) semaphore(%arg12 : memref<!tpu.dma_semaphore, #tpu.memory_space<semaphore_mem>>)
      %mul3A_175 = arith.constant 4 : i32
      %mul3A_176 = arith.muli %mul3A_175, %scan3A_116 : i32
      %add3A_177 = arith.constant 2 : i32
      %add3A_178 = arith.addi %mul3A_176, %add3A_177 : i32
      %dma_wait3A_179 = arith.constant 2 : i32
      %dma_wait3A_180 = arith.constant 0 : i32
      %dma_wait3A_181 = arith.constant 0 : i32
      %dma_wait3A_182 = tpu.memref_slice %arg9[%dma_wait3A_179, %dma_wait3A_180, %dma_wait3A_181] : memref<4x128x128xbf16, #tpu.memory_space<vmem>> -> memref<1x128x128xbf16, #tpu.memory_space<vmem>>
      %dma_wait3A_183 = tpu.memref_squeeze %dma_wait3A_182 : memref<1x128x128xbf16, #tpu.memory_space<vmem>> -> memref<128x128xbf16, #tpu.memory_space<vmem>>
      %dma_wait3A_184 = arith.constant 0 : i32
      %dma_wait3A_185 = tpu.memref_slice %arg7[%add3A_178, %dma_wait3A_184] : memref<80x128xi32, #tpu.memory_space<vmem>> -> memref<1x128xi32, #tpu.memory_space<vmem>>
      %dma_wait3A_186 = tpu.memref_squeeze %dma_wait3A_185 : memref<1x128xi32, #tpu.memory_space<vmem>> -> memref<128xi32, #tpu.memory_space<vmem>>
      %dma_wait3A_187 = arith.constant 0 : i32
      %dma_wait3A_188 = arith.constant 0 : i32
      %dma_wait3A_189 = tpu.memref_slice %arg2[%dma_wait3A_187, %dma_wait3A_188] : memref<10112x128xbf16, #tpu.memory_space<hbm>> -> memref<10112x128xbf16, #tpu.memory_space<hbm>>
      tpu.wait_indirect_dma semaphore(%arg13 : memref<!tpu.dma_semaphore, #tpu.memory_space<semaphore_mem>>) src(%dma_wait3A_189 : memref<10112x128xbf16, #tpu.memory_space<hbm>>) dst(%dma_wait3A_183 : memref<128x128xbf16, #tpu.memory_space<vmem>>)
      %run_scoped3A_190 = arith.constant 2 : i32
      "tpu.region"() ({
        %run_scoped3A_233 = tpu.sem_alloc : memref<!tpu.dma_semaphore, #tpu.memory_space<semaphore_mem>>
        %dma_start3A_234 = arith.constant 0 : i32
        %dma_start3A_235 = arith.constant 0 : i32
        %dma_start3A_236 = tpu.memref_slice %arg9[%run_scoped3A_190, %dma_start3A_234, %dma_start3A_235] : memref<4x128x128xbf16, #tpu.memory_space<vmem>> -> memref<1x128x128xbf16, #tpu.memory_space<vmem>>
        %dma_start3A_237 = tpu.memref_squeeze %dma_start3A_236 : memref<1x128x128xbf16, #tpu.memory_space<vmem>> -> memref<128x128xbf16, #tpu.memory_space<vmem>>
        %dma_start3A_238 = arith.constant 0 : i32
        %dma_start3A_239 = tpu.memref_slice %arg8[%add3A_178, %dma_start3A_238] : memref<80x128xi32, #tpu.memory_space<vmem>> -> memref<1x128xi32, #tpu.memory_space<vmem>>
        %dma_start3A_240 = tpu.memref_squeeze %dma_start3A_239 : memref<1x128xi32, #tpu.memory_space<vmem>> -> memref<128xi32, #tpu.memory_space<vmem>>
        %dma_start3A_241 = arith.constant 0 : i32
        %dma_start3A_242 = arith.constant 0 : i32
        %dma_start3A_243 = tpu.memref_slice %arg10[%dma_start3A_241, %dma_start3A_242] : memref<10112x128xbf16, #tpu.memory_space<vmem_shared>> -> memref<10112x128xbf16, #tpu.memory_space<vmem_shared>>
        tpu.enqueue_indirect_dma source(%dma_start3A_237 : memref<128x128xbf16, #tpu.memory_space<vmem>>) target(%dma_start3A_243 : memref<10112x128xbf16, #tpu.memory_space<vmem_shared>>) offsets(%dma_start3A_240 : memref<128xi32, #tpu.memory_space<vmem>>) semaphore(%run_scoped3A_233 : memref<!tpu.dma_semaphore, #tpu.memory_space<semaphore_mem>>) {add = true}
        %dma_wait3A_244 = arith.constant 0 : i32
        %dma_wait3A_245 = arith.constant 0 : i32
        %dma_wait3A_246 = tpu.memref_slice %arg9[%run_scoped3A_190, %dma_wait3A_244, %dma_wait3A_245] : memref<4x128x128xbf16, #tpu.memory_space<vmem>> -> memref<1x128x128xbf16, #tpu.memory_space<vmem>>
        %dma_wait3A_247 = tpu.memref_squeeze %dma_wait3A_246 : memref<1x128x128xbf16, #tpu.memory_space<vmem>> -> memref<128x128xbf16, #tpu.memory_space<vmem>>
        %dma_wait3A_248 = arith.constant 0 : i32
        %dma_wait3A_249 = tpu.memref_slice %arg8[%add3A_178, %dma_wait3A_248] : memref<80x128xi32, #tpu.memory_space<vmem>> -> memref<1x128xi32, #tpu.memory_space<vmem>>
        %dma_wait3A_250 = tpu.memref_squeeze %dma_wait3A_249 : memref<1x128xi32, #tpu.memory_space<vmem>> -> memref<128xi32, #tpu.memory_space<vmem>>
        %dma_wait3A_251 = arith.constant 0 : i32
        %dma_wait3A_252 = arith.constant 0 : i32
        %dma_wait3A_253 = tpu.memref_slice %arg10[%dma_wait3A_251, %dma_wait3A_252] : memref<10112x128xbf16, #tpu.memory_space<vmem_shared>> -> memref<10112x128xbf16, #tpu.memory_space<vmem_shared>>
        tpu.wait_indirect_dma semaphore(%run_scoped3A_233 : memref<!tpu.dma_semaphore, #tpu.memory_space<semaphore_mem>>) src(%dma_wait3A_247 : memref<128x128xbf16, #tpu.memory_space<vmem>>) dst(%dma_wait3A_253 : memref<10112x128xbf16, #tpu.memory_space<vmem_shared>>)
        tpu.yield
      }) : () -> ()
      %add3A_191 = arith.constant 4 : i32
      %add3A_192 = arith.addi %add3A_178, %add3A_191 : i32
      %dma_start3A_193 = arith.constant 2 : i32
      %dma_start3A_194 = arith.constant 0 : i32
      %dma_start3A_195 = arith.constant 0 : i32
      %dma_start3A_196 = tpu.memref_slice %arg9[%dma_start3A_193, %dma_start3A_194, %dma_start3A_195] : memref<4x128x128xbf16, #tpu.memory_space<vmem>> -> memref<1x128x128xbf16, #tpu.memory_space<vmem>>
      %dma_start3A_197 = tpu.memref_squeeze %dma_start3A_196 : memref<1x128x128xbf16, #tpu.memory_space<vmem>> -> memref<128x128xbf16, #tpu.memory_space<vmem>>
      %dma_start3A_198 = arith.constant 0 : i32
      %dma_start3A_199 = tpu.memref_slice %arg7[%add3A_192, %dma_start3A_198] : memref<80x128xi32, #tpu.memory_space<vmem>> -> memref<1x128xi32, #tpu.memory_space<vmem>>
      %dma_start3A_200 = tpu.memref_squeeze %dma_start3A_199 : memref<1x128xi32, #tpu.memory_space<vmem>> -> memref<128xi32, #tpu.memory_space<vmem>>
      %dma_start3A_201 = arith.constant 0 : i32
      %dma_start3A_202 = arith.constant 0 : i32
      %dma_start3A_203 = tpu.memref_slice %arg2[%dma_start3A_201, %dma_start3A_202] : memref<10112x128xbf16, #tpu.memory_space<hbm>> -> memref<10112x128xbf16, #tpu.memory_space<hbm>>
      tpu.enqueue_indirect_dma source(%dma_start3A_203 : memref<10112x128xbf16, #tpu.memory_space<hbm>>) target(%dma_start3A_197 : memref<128x128xbf16, #tpu.memory_space<vmem>>) offsets(%dma_start3A_200 : memref<128xi32, #tpu.memory_space<vmem>>) semaphore(%arg13 : memref<!tpu.dma_semaphore, #tpu.memory_space<semaphore_mem>>)
      %mul3A_204 = arith.constant 4 : i32
      %mul3A_205 = arith.muli %mul3A_204, %scan3A_116 : i32
      %add3A_206 = arith.constant 3 : i32
      %add3A_207 = arith.addi %mul3A_205, %add3A_206 : i32
      %dma_wait3A_208 = arith.constant 3 : i32
      %dma_wait3A_209 = arith.constant 0 : i32
      %dma_wait3A_210 = arith.constant 0 : i32
      %dma_wait3A_211 = tpu.memref_slice %arg9[%dma_wait3A_208, %dma_wait3A_209, %dma_wait3A_210] : memref<4x128x128xbf16, #tpu.memory_space<vmem>> -> memref<1x128x128xbf16, #tpu.memory_space<vmem>>
      %dma_wait3A_212 = tpu.memref_squeeze %dma_wait3A_211 : memref<1x128x128xbf16, #tpu.memory_space<vmem>> -> memref<128x128xbf16, #tpu.memory_space<vmem>>
      %dma_wait3A_213 = arith.constant 0 : i32
      %dma_wait3A_214 = tpu.memref_slice %arg7[%add3A_207, %dma_wait3A_213] : memref<80x128xi32, #tpu.memory_space<vmem>> -> memref<1x128xi32, #tpu.memory_space<vmem>>
      %dma_wait3A_215 = tpu.memref_squeeze %dma_wait3A_214 : memref<1x128xi32, #tpu.memory_space<vmem>> -> memref<128xi32, #tpu.memory_space<vmem>>
      %dma_wait3A_216 = arith.constant 0 : i32
      %dma_wait3A_217 = arith.constant 0 : i32
      %dma_wait3A_218 = tpu.memref_slice %arg2[%dma_wait3A_216, %dma_wait3A_217] : memref<10112x128xbf16, #tpu.memory_space<hbm>> -> memref<10112x128xbf16, #tpu.memory_space<hbm>>
      tpu.wait_indirect_dma semaphore(%arg14 : memref<!tpu.dma_semaphore, #tpu.memory_space<semaphore_mem>>) src(%dma_wait3A_218 : memref<10112x128xbf16, #tpu.memory_space<hbm>>) dst(%dma_wait3A_212 : memref<128x128xbf16, #tpu.memory_space<vmem>>)
      %run_scoped3A_219 = arith.constant 3 : i32
      "tpu.region"() ({
        %run_scoped3A_233 = tpu.sem_alloc : memref<!tpu.dma_semaphore, #tpu.memory_space<semaphore_mem>>
        %dma_start3A_234 = arith.constant 0 : i32
        %dma_start3A_235 = arith.constant 0 : i32
        %dma_start3A_236 = tpu.memref_slice %arg9[%run_scoped3A_219, %dma_start3A_234, %dma_start3A_235] : memref<4x128x128xbf16, #tpu.memory_space<vmem>> -> memref<1x128x128xbf16, #tpu.memory_space<vmem>>
        %dma_start3A_237 = tpu.memref_squeeze %dma_start3A_236 : memref<1x128x128xbf16, #tpu.memory_space<vmem>> -> memref<128x128xbf16, #tpu.memory_space<vmem>>
        %dma_start3A_238 = arith.constant 0 : i32
        %dma_start3A_239 = tpu.memref_slice %arg8[%add3A_207, %dma_start3A_238] : memref<80x128xi32, #tpu.memory_space<vmem>> -> memref<1x128xi32, #tpu.memory_space<vmem>>
        %dma_start3A_240 = tpu.memref_squeeze %dma_start3A_239 : memref<1x128xi32, #tpu.memory_space<vmem>> -> memref<128xi32, #tpu.memory_space<vmem>>
        %dma_start3A_241 = arith.constant 0 : i32
        %dma_start3A_242 = arith.constant 0 : i32
        %dma_start3A_243 = tpu.memref_slice %arg10[%dma_start3A_241, %dma_start3A_242] : memref<10112x128xbf16, #tpu.memory_space<vmem_shared>> -> memref<10112x128xbf16, #tpu.memory_space<vmem_shared>>
        tpu.enqueue_indirect_dma source(%dma_start3A_237 : memref<128x128xbf16, #tpu.memory_space<vmem>>) target(%dma_start3A_243 : memref<10112x128xbf16, #tpu.memory_space<vmem_shared>>) offsets(%dma_start3A_240 : memref<128xi32, #tpu.memory_space<vmem>>) semaphore(%run_scoped3A_233 : memref<!tpu.dma_semaphore, #tpu.memory_space<semaphore_mem>>) {add = true}
        %dma_wait3A_244 = arith.constant 0 : i32
        %dma_wait3A_245 = arith.constant 0 : i32
        %dma_wait3A_246 = tpu.memref_slice %arg9[%run_scoped3A_219, %dma_wait3A_244, %dma_wait3A_245] : memref<4x128x128xbf16, #tpu.memory_space<vmem>> -> memref<1x128x128xbf16, #tpu.memory_space<vmem>>
        %dma_wait3A_247 = tpu.memref_squeeze %dma_wait3A_246 : memref<1x128x128xbf16, #tpu.memory_space<vmem>> -> memref<128x128xbf16, #tpu.memory_space<vmem>>
        %dma_wait3A_248 = arith.constant 0 : i32
        %dma_wait3A_249 = tpu.memref_slice %arg8[%add3A_207, %dma_wait3A_248] : memref<80x128xi32, #tpu.memory_space<vmem>> -> memref<1x128xi32, #tpu.memory_space<vmem>>
        %dma_wait3A_250 = tpu.memref_squeeze %dma_wait3A_249 : memref<1x128xi32, #tpu.memory_space<vmem>> -> memref<128xi32, #tpu.memory_space<vmem>>
        %dma_wait3A_251 = arith.constant 0 : i32
        %dma_wait3A_252 = arith.constant 0 : i32
        %dma_wait3A_253 = tpu.memref_slice %arg10[%dma_wait3A_251, %dma_wait3A_252] : memref<10112x128xbf16, #tpu.memory_space<vmem_shared>> -> memref<10112x128xbf16, #tpu.memory_space<vmem_shared>>
        tpu.wait_indirect_dma semaphore(%run_scoped3A_233 : memref<!tpu.dma_semaphore, #tpu.memory_space<semaphore_mem>>) src(%dma_wait3A_247 : memref<128x128xbf16, #tpu.memory_space<vmem>>) dst(%dma_wait3A_253 : memref<10112x128xbf16, #tpu.memory_space<vmem_shared>>)
        tpu.yield
      }) : () -> ()
      %add3A_220 = arith.constant 4 : i32
      %add3A_221 = arith.addi %add3A_207, %add3A_220 : i32
      %dma_start3A_222 = arith.constant 3 : i32
      %dma_start3A_223 = arith.constant 0 : i32
      %dma_start3A_224 = arith.constant 0 : i32
      %dma_start3A_225 = tpu.memref_slice %arg9[%dma_start3A_222, %dma_start3A_223, %dma_start3A_224] : memref<4x128x128xbf16, #tpu.memory_space<vmem>> -> memref<1x128x128xbf16, #tpu.memory_space<vmem>>
      %dma_start3A_226 = tpu.memref_squeeze %dma_start3A_225 : memref<1x128x128xbf16, #tpu.memory_space<vmem>> -> memref<128x128xbf16, #tpu.memory_space<vmem>>
      %dma_start3A_227 = arith.constant 0 : i32
      %dma_start3A_228 = tpu.memref_slice %arg7[%add3A_221, %dma_start3A_227] : memref<80x128xi32, #tpu.memory_space<vmem>> -> memref<1x128xi32, #tpu.memory_space<vmem>>
      %dma_start3A_229 = tpu.memref_squeeze %dma_start3A_228 : memref<1x128xi32, #tpu.memory_space<vmem>> -> memref<128xi32, #tpu.memory_space<vmem>>
      %dma_start3A_230 = arith.constant 0 : i32
      %dma_start3A_231 = arith.constant 0 : i32
      %dma_start3A_232 = tpu.memref_slice %arg2[%dma_start3A_230, %dma_start3A_231] : memref<10112x128xbf16, #tpu.memory_space<hbm>> -> memref<10112x128xbf16, #tpu.memory_space<hbm>>
      tpu.enqueue_indirect_dma source(%dma_start3A_232 : memref<10112x128xbf16, #tpu.memory_space<hbm>>) target(%dma_start3A_226 : memref<128x128xbf16, #tpu.memory_space<vmem>>) offsets(%dma_start3A_229 : memref<128xi32, #tpu.memory_space<vmem>>) semaphore(%arg14 : memref<!tpu.dma_semaphore, #tpu.memory_space<semaphore_mem>>)
    }
    %scan3A_56 = arith.constant 19 : i32
    %dma_wait3A = arith.constant 76 : i32
    %dma_wait3A_57 = arith.constant 0 : i32
    %dma_wait3A_58 = arith.constant 0 : i32
    %dma_wait3A_59 = arith.constant 0 : i32
    %dma_wait3A_60 = tpu.memref_slice %arg9[%dma_wait3A_57, %dma_wait3A_58, %dma_wait3A_59] : memref<4x128x128xbf16, #tpu.memory_space<vmem>> -> memref<1x128x128xbf16, #tpu.memory_space<vmem>>
    %dma_wait3A_61 = tpu.memref_squeeze %dma_wait3A_60 : memref<1x128x128xbf16, #tpu.memory_space<vmem>> -> memref<128x128xbf16, #tpu.memory_space<vmem>>
    %dma_wait3A_62 = arith.constant 0 : i32
    %dma_wait3A_63 = tpu.memref_slice %arg7[%dma_wait3A, %dma_wait3A_62] : memref<80x128xi32, #tpu.memory_space<vmem>> -> memref<1x128xi32, #tpu.memory_space<vmem>>
    %dma_wait3A_64 = tpu.memref_squeeze %dma_wait3A_63 : memref<1x128xi32, #tpu.memory_space<vmem>> -> memref<128xi32, #tpu.memory_space<vmem>>
    %dma_wait3A_65 = arith.constant 0 : i32
    %dma_wait3A_66 = arith.constant 0 : i32
    %dma_wait3A_67 = tpu.memref_slice %arg2[%dma_wait3A_65, %dma_wait3A_66] : memref<10112x128xbf16, #tpu.memory_space<hbm>> -> memref<10112x128xbf16, #tpu.memory_space<hbm>>
    tpu.wait_indirect_dma semaphore(%arg11 : memref<!tpu.dma_semaphore, #tpu.memory_space<semaphore_mem>>) src(%dma_wait3A_67 : memref<10112x128xbf16, #tpu.memory_space<hbm>>) dst(%dma_wait3A_61 : memref<128x128xbf16, #tpu.memory_space<vmem>>)
    %run_scoped3A = arith.constant 0 : i32
    %run_scoped3A_68 = arith.constant 76 : i32
    "tpu.region"() ({
      %run_scoped3A_116 = tpu.sem_alloc : memref<!tpu.dma_semaphore, #tpu.memory_space<semaphore_mem>>
      %dma_start3A_117 = arith.constant 0 : i32
      %dma_start3A_118 = arith.constant 0 : i32
      %dma_start3A_119 = tpu.memref_slice %arg9[%run_scoped3A, %dma_start3A_117, %dma_start3A_118] : memref<4x128x128xbf16, #tpu.memory_space<vmem>> -> memref<1x128x128xbf16, #tpu.memory_space<vmem>>
      %dma_start3A_120 = tpu.memref_squeeze %dma_start3A_119 : memref<1x128x128xbf16, #tpu.memory_space<vmem>> -> memref<128x128xbf16, #tpu.memory_space<vmem>>
      %dma_start3A_121 = arith.constant 0 : i32
      %dma_start3A_122 = tpu.memref_slice %arg8[%run_scoped3A_68, %dma_start3A_121] : memref<80x128xi32, #tpu.memory_space<vmem>> -> memref<1x128xi32, #tpu.memory_space<vmem>>
      %dma_start3A_123 = tpu.memref_squeeze %dma_start3A_122 : memref<1x128xi32, #tpu.memory_space<vmem>> -> memref<128xi32, #tpu.memory_space<vmem>>
      %dma_start3A_124 = arith.constant 0 : i32
      %dma_start3A_125 = arith.constant 0 : i32
      %dma_start3A_126 = tpu.memref_slice %arg10[%dma_start3A_124, %dma_start3A_125] : memref<10112x128xbf16, #tpu.memory_space<vmem_shared>> -> memref<10112x128xbf16, #tpu.memory_space<vmem_shared>>
      tpu.enqueue_indirect_dma source(%dma_start3A_120 : memref<128x128xbf16, #tpu.memory_space<vmem>>) target(%dma_start3A_126 : memref<10112x128xbf16, #tpu.memory_space<vmem_shared>>) offsets(%dma_start3A_123 : memref<128xi32, #tpu.memory_space<vmem>>) semaphore(%run_scoped3A_116 : memref<!tpu.dma_semaphore, #tpu.memory_space<semaphore_mem>>) {add = true}
      %dma_wait3A_127 = arith.constant 0 : i32
      %dma_wait3A_128 = arith.constant 0 : i32
      %dma_wait3A_129 = tpu.memref_slice %arg9[%run_scoped3A, %dma_wait3A_127, %dma_wait3A_128] : memref<4x128x128xbf16, #tpu.memory_space<vmem>> -> memref<1x128x128xbf16, #tpu.memory_space<vmem>>
      %dma_wait3A_130 = tpu.memref_squeeze %dma_wait3A_129 : memref<1x128x128xbf16, #tpu.memory_space<vmem>> -> memref<128x128xbf16, #tpu.memory_space<vmem>>
      %dma_wait3A_131 = arith.constant 0 : i32
      %dma_wait3A_132 = tpu.memref_slice %arg8[%run_scoped3A_68, %dma_wait3A_131] : memref<80x128xi32, #tpu.memory_space<vmem>> -> memref<1x128xi32, #tpu.memory_space<vmem>>
      %dma_wait3A_133 = tpu.memref_squeeze %dma_wait3A_132 : memref<1x128xi32, #tpu.memory_space<vmem>> -> memref<128xi32, #tpu.memory_space<vmem>>
      %dma_wait3A_134 = arith.constant 0 : i32
      %dma_wait3A_135 = arith.constant 0 : i32
      %dma_wait3A_136 = tpu.memref_slice %arg10[%dma_wait3A_134, %dma_wait3A_135] : memref<10112x128xbf16, #tpu.memory_space<vmem_shared>> -> memref<10112x128xbf16, #tpu.memory_space<vmem_shared>>
      tpu.wait_indirect_dma semaphore(%run_scoped3A_116 : memref<!tpu.dma_semaphore, #tpu.memory_space<semaphore_mem>>) src(%dma_wait3A_130 : memref<128x128xbf16, #tpu.memory_space<vmem>>) dst(%dma_wait3A_136 : memref<10112x128xbf16, #tpu.memory_space<vmem_shared>>)
      tpu.yield
    }) : () -> ()
    %dma_wait3A_69 = arith.constant 77 : i32
    %dma_wait3A_70 = arith.constant 1 : i32
    %dma_wait3A_71 = arith.constant 0 : i32
    %dma_wait3A_72 = arith.constant 0 : i32
    %dma_wait3A_73 = tpu.memref_slice %arg9[%dma_wait3A_70, %dma_wait3A_71, %dma_wait3A_72] : memref<4x128x128xbf16, #tpu.memory_space<vmem>> -> memref<1x128x128xbf16, #tpu.memory_space<vmem>>
    %dma_wait3A_74 = tpu.memref_squeeze %dma_wait3A_73 : memref<1x128x128xbf16, #tpu.memory_space<vmem>> -> memref<128x128xbf16, #tpu.memory_space<vmem>>
    %dma_wait3A_75 = arith.constant 0 : i32
    %dma_wait3A_76 = tpu.memref_slice %arg7[%dma_wait3A_69, %dma_wait3A_75] : memref<80x128xi32, #tpu.memory_space<vmem>> -> memref<1x128xi32, #tpu.memory_space<vmem>>
    %dma_wait3A_77 = tpu.memref_squeeze %dma_wait3A_76 : memref<1x128xi32, #tpu.memory_space<vmem>> -> memref<128xi32, #tpu.memory_space<vmem>>
    %dma_wait3A_78 = arith.constant 0 : i32
    %dma_wait3A_79 = arith.constant 0 : i32
    %dma_wait3A_80 = tpu.memref_slice %arg2[%dma_wait3A_78, %dma_wait3A_79] : memref<10112x128xbf16, #tpu.memory_space<hbm>> -> memref<10112x128xbf16, #tpu.memory_space<hbm>>
    tpu.wait_indirect_dma semaphore(%arg12 : memref<!tpu.dma_semaphore, #tpu.memory_space<semaphore_mem>>) src(%dma_wait3A_80 : memref<10112x128xbf16, #tpu.memory_space<hbm>>) dst(%dma_wait3A_74 : memref<128x128xbf16, #tpu.memory_space<vmem>>)
    %run_scoped3A_81 = arith.constant 1 : i32
    %run_scoped3A_82 = arith.constant 77 : i32
    "tpu.region"() ({
      %run_scoped3A_116 = tpu.sem_alloc : memref<!tpu.dma_semaphore, #tpu.memory_space<semaphore_mem>>
      %dma_start3A_117 = arith.constant 0 : i32
      %dma_start3A_118 = arith.constant 0 : i32
      %dma_start3A_119 = tpu.memref_slice %arg9[%run_scoped3A_81, %dma_start3A_117, %dma_start3A_118] : memref<4x128x128xbf16, #tpu.memory_space<vmem>> -> memref<1x128x128xbf16, #tpu.memory_space<vmem>>
      %dma_start3A_120 = tpu.memref_squeeze %dma_start3A_119 : memref<1x128x128xbf16, #tpu.memory_space<vmem>> -> memref<128x128xbf16, #tpu.memory_space<vmem>>
      %dma_start3A_121 = arith.constant 0 : i32
      %dma_start3A_122 = tpu.memref_slice %arg8[%run_scoped3A_82, %dma_start3A_121] : memref<80x128xi32, #tpu.memory_space<vmem>> -> memref<1x128xi32, #tpu.memory_space<vmem>>
      %dma_start3A_123 = tpu.memref_squeeze %dma_start3A_122 : memref<1x128xi32, #tpu.memory_space<vmem>> -> memref<128xi32, #tpu.memory_space<vmem>>
      %dma_start3A_124 = arith.constant 0 : i32
      %dma_start3A_125 = arith.constant 0 : i32
      %dma_start3A_126 = tpu.memref_slice %arg10[%dma_start3A_124, %dma_start3A_125] : memref<10112x128xbf16, #tpu.memory_space<vmem_shared>> -> memref<10112x128xbf16, #tpu.memory_space<vmem_shared>>
      tpu.enqueue_indirect_dma source(%dma_start3A_120 : memref<128x128xbf16, #tpu.memory_space<vmem>>) target(%dma_start3A_126 : memref<10112x128xbf16, #tpu.memory_space<vmem_shared>>) offsets(%dma_start3A_123 : memref<128xi32, #tpu.memory_space<vmem>>) semaphore(%run_scoped3A_116 : memref<!tpu.dma_semaphore, #tpu.memory_space<semaphore_mem>>) {add = true}
      %dma_wait3A_127 = arith.constant 0 : i32
      %dma_wait3A_128 = arith.constant 0 : i32
      %dma_wait3A_129 = tpu.memref_slice %arg9[%run_scoped3A_81, %dma_wait3A_127, %dma_wait3A_128] : memref<4x128x128xbf16, #tpu.memory_space<vmem>> -> memref<1x128x128xbf16, #tpu.memory_space<vmem>>
      %dma_wait3A_130 = tpu.memref_squeeze %dma_wait3A_129 : memref<1x128x128xbf16, #tpu.memory_space<vmem>> -> memref<128x128xbf16, #tpu.memory_space<vmem>>
      %dma_wait3A_131 = arith.constant 0 : i32
      %dma_wait3A_132 = tpu.memref_slice %arg8[%run_scoped3A_82, %dma_wait3A_131] : memref<80x128xi32, #tpu.memory_space<vmem>> -> memref<1x128xi32, #tpu.memory_space<vmem>>
      %dma_wait3A_133 = tpu.memref_squeeze %dma_wait3A_132 : memref<1x128xi32, #tpu.memory_space<vmem>> -> memref<128xi32, #tpu.memory_space<vmem>>
      %dma_wait3A_134 = arith.constant 0 : i32
      %dma_wait3A_135 = arith.constant 0 : i32
      %dma_wait3A_136 = tpu.memref_slice %arg10[%dma_wait3A_134, %dma_wait3A_135] : memref<10112x128xbf16, #tpu.memory_space<vmem_shared>> -> memref<10112x128xbf16, #tpu.memory_space<vmem_shared>>
      tpu.wait_indirect_dma semaphore(%run_scoped3A_116 : memref<!tpu.dma_semaphore, #tpu.memory_space<semaphore_mem>>) src(%dma_wait3A_130 : memref<128x128xbf16, #tpu.memory_space<vmem>>) dst(%dma_wait3A_136 : memref<10112x128xbf16, #tpu.memory_space<vmem_shared>>)
      tpu.yield
    }) : () -> ()
    %dma_wait3A_83 = arith.constant 78 : i32
    %dma_wait3A_84 = arith.constant 2 : i32
    %dma_wait3A_85 = arith.constant 0 : i32
    %dma_wait3A_86 = arith.constant 0 : i32
    %dma_wait3A_87 = tpu.memref_slice %arg9[%dma_wait3A_84, %dma_wait3A_85, %dma_wait3A_86] : memref<4x128x128xbf16, #tpu.memory_space<vmem>> -> memref<1x128x128xbf16, #tpu.memory_space<vmem>>
    %dma_wait3A_88 = tpu.memref_squeeze %dma_wait3A_87 : memref<1x128x128xbf16, #tpu.memory_space<vmem>> -> memref<128x128xbf16, #tpu.memory_space<vmem>>
    %dma_wait3A_89 = arith.constant 0 : i32
    %dma_wait3A_90 = tpu.memref_slice %arg7[%dma_wait3A_83, %dma_wait3A_89] : memref<80x128xi32, #tpu.memory_space<vmem>> -> memref<1x128xi32, #tpu.memory_space<vmem>>
    %dma_wait3A_91 = tpu.memref_squeeze %dma_wait3A_90 : memref<1x128xi32, #tpu.memory_space<vmem>> -> memref<128xi32, #tpu.memory_space<vmem>>
    %dma_wait3A_92 = arith.constant 0 : i32
    %dma_wait3A_93 = arith.constant 0 : i32
    %dma_wait3A_94 = tpu.memref_slice %arg2[%dma_wait3A_92, %dma_wait3A_93] : memref<10112x128xbf16, #tpu.memory_space<hbm>> -> memref<10112x128xbf16, #tpu.memory_space<hbm>>
    tpu.wait_indirect_dma semaphore(%arg13 : memref<!tpu.dma_semaphore, #tpu.memory_space<semaphore_mem>>) src(%dma_wait3A_94 : memref<10112x128xbf16, #tpu.memory_space<hbm>>) dst(%dma_wait3A_88 : memref<128x128xbf16, #tpu.memory_space<vmem>>)
    %run_scoped3A_95 = arith.constant 2 : i32
    %run_scoped3A_96 = arith.constant 78 : i32
    "tpu.region"() ({
      %run_scoped3A_116 = tpu.sem_alloc : memref<!tpu.dma_semaphore, #tpu.memory_space<semaphore_mem>>
      %dma_start3A_117 = arith.constant 0 : i32
      %dma_start3A_118 = arith.constant 0 : i32
      %dma_start3A_119 = tpu.memref_slice %arg9[%run_scoped3A_95, %dma_start3A_117, %dma_start3A_118] : memref<4x128x128xbf16, #tpu.memory_space<vmem>> -> memref<1x128x128xbf16, #tpu.memory_space<vmem>>
      %dma_start3A_120 = tpu.memref_squeeze %dma_start3A_119 : memref<1x128x128xbf16, #tpu.memory_space<vmem>> -> memref<128x128xbf16, #tpu.memory_space<vmem>>
      %dma_start3A_121 = arith.constant 0 : i32
      %dma_start3A_122 = tpu.memref_slice %arg8[%run_scoped3A_96, %dma_start3A_121] : memref<80x128xi32, #tpu.memory_space<vmem>> -> memref<1x128xi32, #tpu.memory_space<vmem>>
      %dma_start3A_123 = tpu.memref_squeeze %dma_start3A_122 : memref<1x128xi32, #tpu.memory_space<vmem>> -> memref<128xi32, #tpu.memory_space<vmem>>
      %dma_start3A_124 = arith.constant 0 : i32
      %dma_start3A_125 = arith.constant 0 : i32
      %dma_start3A_126 = tpu.memref_slice %arg10[%dma_start3A_124, %dma_start3A_125] : memref<10112x128xbf16, #tpu.memory_space<vmem_shared>> -> memref<10112x128xbf16, #tpu.memory_space<vmem_shared>>
      tpu.enqueue_indirect_dma source(%dma_start3A_120 : memref<128x128xbf16, #tpu.memory_space<vmem>>) target(%dma_start3A_126 : memref<10112x128xbf16, #tpu.memory_space<vmem_shared>>) offsets(%dma_start3A_123 : memref<128xi32, #tpu.memory_space<vmem>>) semaphore(%run_scoped3A_116 : memref<!tpu.dma_semaphore, #tpu.memory_space<semaphore_mem>>) {add = true}
      %dma_wait3A_127 = arith.constant 0 : i32
      %dma_wait3A_128 = arith.constant 0 : i32
      %dma_wait3A_129 = tpu.memref_slice %arg9[%run_scoped3A_95, %dma_wait3A_127, %dma_wait3A_128] : memref<4x128x128xbf16, #tpu.memory_space<vmem>> -> memref<1x128x128xbf16, #tpu.memory_space<vmem>>
      %dma_wait3A_130 = tpu.memref_squeeze %dma_wait3A_129 : memref<1x128x128xbf16, #tpu.memory_space<vmem>> -> memref<128x128xbf16, #tpu.memory_space<vmem>>
      %dma_wait3A_131 = arith.constant 0 : i32
      %dma_wait3A_132 = tpu.memref_slice %arg8[%run_scoped3A_96, %dma_wait3A_131] : memref<80x128xi32, #tpu.memory_space<vmem>> -> memref<1x128xi32, #tpu.memory_space<vmem>>
      %dma_wait3A_133 = tpu.memref_squeeze %dma_wait3A_132 : memref<1x128xi32, #tpu.memory_space<vmem>> -> memref<128xi32, #tpu.memory_space<vmem>>
      %dma_wait3A_134 = arith.constant 0 : i32
      %dma_wait3A_135 = arith.constant 0 : i32
      %dma_wait3A_136 = tpu.memref_slice %arg10[%dma_wait3A_134, %dma_wait3A_135] : memref<10112x128xbf16, #tpu.memory_space<vmem_shared>> -> memref<10112x128xbf16, #tpu.memory_space<vmem_shared>>
      tpu.wait_indirect_dma semaphore(%run_scoped3A_116 : memref<!tpu.dma_semaphore, #tpu.memory_space<semaphore_mem>>) src(%dma_wait3A_130 : memref<128x128xbf16, #tpu.memory_space<vmem>>) dst(%dma_wait3A_136 : memref<10112x128xbf16, #tpu.memory_space<vmem_shared>>)
      tpu.yield
    }) : () -> ()
    %dma_wait3A_97 = arith.constant 79 : i32
    %dma_wait3A_98 = arith.constant 3 : i32
    %dma_wait3A_99 = arith.constant 0 : i32
    %dma_wait3A_100 = arith.constant 0 : i32
    %dma_wait3A_101 = tpu.memref_slice %arg9[%dma_wait3A_98, %dma_wait3A_99, %dma_wait3A_100] : memref<4x128x128xbf16, #tpu.memory_space<vmem>> -> memref<1x128x128xbf16, #tpu.memory_space<vmem>>
    %dma_wait3A_102 = tpu.memref_squeeze %dma_wait3A_101 : memref<1x128x128xbf16, #tpu.memory_space<vmem>> -> memref<128x128xbf16, #tpu.memory_space<vmem>>
    %dma_wait3A_103 = arith.constant 0 : i32
    %dma_wait3A_104 = tpu.memref_slice %arg7[%dma_wait3A_97, %dma_wait3A_103] : memref<80x128xi32, #tpu.memory_space<vmem>> -> memref<1x128xi32, #tpu.memory_space<vmem>>
    %dma_wait3A_105 = tpu.memref_squeeze %dma_wait3A_104 : memref<1x128xi32, #tpu.memory_space<vmem>> -> memref<128xi32, #tpu.memory_space<vmem>>
    %dma_wait3A_106 = arith.constant 0 : i32
    %dma_wait3A_107 = arith.constant 0 : i32
    %dma_wait3A_108 = tpu.memref_slice %arg2[%dma_wait3A_106, %dma_wait3A_107] : memref<10112x128xbf16, #tpu.memory_space<hbm>> -> memref<10112x128xbf16, #tpu.memory_space<hbm>>
    tpu.wait_indirect_dma semaphore(%arg14 : memref<!tpu.dma_semaphore, #tpu.memory_space<semaphore_mem>>) src(%dma_wait3A_108 : memref<10112x128xbf16, #tpu.memory_space<hbm>>) dst(%dma_wait3A_102 : memref<128x128xbf16, #tpu.memory_space<vmem>>)
    %run_scoped3A_109 = arith.constant 3 : i32
    %run_scoped3A_110 = arith.constant 79 : i32
    "tpu.region"() ({
      %run_scoped3A_116 = tpu.sem_alloc : memref<!tpu.dma_semaphore, #tpu.memory_space<semaphore_mem>>
      %dma_start3A_117 = arith.constant 0 : i32
      %dma_start3A_118 = arith.constant 0 : i32
      %dma_start3A_119 = tpu.memref_slice %arg9[%run_scoped3A_109, %dma_start3A_117, %dma_start3A_118] : memref<4x128x128xbf16, #tpu.memory_space<vmem>> -> memref<1x128x128xbf16, #tpu.memory_space<vmem>>
      %dma_start3A_120 = tpu.memref_squeeze %dma_start3A_119 : memref<1x128x128xbf16, #tpu.memory_space<vmem>> -> memref<128x128xbf16, #tpu.memory_space<vmem>>
      %dma_start3A_121 = arith.constant 0 : i32
      %dma_start3A_122 = tpu.memref_slice %arg8[%run_scoped3A_110, %dma_start3A_121] : memref<80x128xi32, #tpu.memory_space<vmem>> -> memref<1x128xi32, #tpu.memory_space<vmem>>
      %dma_start3A_123 = tpu.memref_squeeze %dma_start3A_122 : memref<1x128xi32, #tpu.memory_space<vmem>> -> memref<128xi32, #tpu.memory_space<vmem>>
      %dma_start3A_124 = arith.constant 0 : i32
      %dma_start3A_125 = arith.constant 0 : i32
      %dma_start3A_126 = tpu.memref_slice %arg10[%dma_start3A_124, %dma_start3A_125] : memref<10112x128xbf16, #tpu.memory_space<vmem_shared>> -> memref<10112x128xbf16, #tpu.memory_space<vmem_shared>>
      tpu.enqueue_indirect_dma source(%dma_start3A_120 : memref<128x128xbf16, #tpu.memory_space<vmem>>) target(%dma_start3A_126 : memref<10112x128xbf16, #tpu.memory_space<vmem_shared>>) offsets(%dma_start3A_123 : memref<128xi32, #tpu.memory_space<vmem>>) semaphore(%run_scoped3A_116 : memref<!tpu.dma_semaphore, #tpu.memory_space<semaphore_mem>>) {add = true}
      %dma_wait3A_127 = arith.constant 0 : i32
      %dma_wait3A_128 = arith.constant 0 : i32
      %dma_wait3A_129 = tpu.memref_slice %arg9[%run_scoped3A_109, %dma_wait3A_127, %dma_wait3A_128] : memref<4x128x128xbf16, #tpu.memory_space<vmem>> -> memref<1x128x128xbf16, #tpu.memory_space<vmem>>
      %dma_wait3A_130 = tpu.memref_squeeze %dma_wait3A_129 : memref<1x128x128xbf16, #tpu.memory_space<vmem>> -> memref<128x128xbf16, #tpu.memory_space<vmem>>
      %dma_wait3A_131 = arith.constant 0 : i32
      %dma_wait3A_132 = tpu.memref_slice %arg8[%run_scoped3A_110, %dma_wait3A_131] : memref<80x128xi32, #tpu.memory_space<vmem>> -> memref<1x128xi32, #tpu.memory_space<vmem>>
      %dma_wait3A_133 = tpu.memref_squeeze %dma_wait3A_132 : memref<1x128xi32, #tpu.memory_space<vmem>> -> memref<128xi32, #tpu.memory_space<vmem>>
      %dma_wait3A_134 = arith.constant 0 : i32
      %dma_wait3A_135 = arith.constant 0 : i32
      %dma_wait3A_136 = tpu.memref_slice %arg10[%dma_wait3A_134, %dma_wait3A_135] : memref<10112x128xbf16, #tpu.memory_space<vmem_shared>> -> memref<10112x128xbf16, #tpu.memory_space<vmem_shared>>
      tpu.wait_indirect_dma semaphore(%run_scoped3A_116 : memref<!tpu.dma_semaphore, #tpu.memory_space<semaphore_mem>>) src(%dma_wait3A_130 : memref<128x128xbf16, #tpu.memory_space<vmem>>) dst(%dma_wait3A_136 : memref<10112x128xbf16, #tpu.memory_space<vmem_shared>>)
      tpu.yield
    }) : () -> ()
    %barrier3A_111 = arith.constant 0 : index
    tpu.barrier barrier_id(%barrier3A_111)
    %mul3A_112 = arith.constant 632 : i32
    %mul3A_113 = arith.muli %arg1, %mul3A_112 : i32
    %mul3A_114 = arith.constant 632 : i32
    %mul3A_115 = arith.muli %arg1, %mul3A_114 : i32
    "tpu.region"() ({
      %run_scoped3A_116 = tpu.sem_alloc : memref<!tpu.dma_semaphore, #tpu.memory_space<semaphore_mem>>
      %dma_start3A_117 = arith.constant 0 : i32
      %dma_start3A_118 = tpu.memref_slice %arg6[%arg0, %mul3A_115, %dma_start3A_117] : memref<2x10112x128xbf16, #tpu.memory_space<hbm>> -> memref<1x632x128xbf16, #tpu.memory_space<hbm>>
      %dma_start3A_119 = tpu.memref_squeeze %dma_start3A_118 : memref<1x632x128xbf16, #tpu.memory_space<hbm>> -> memref<632x128xbf16, #tpu.memory_space<hbm>>
      %dma_start3A_120 = arith.constant 0 : i32
      %dma_start3A_121 = tpu.memref_slice %arg10[%mul3A_113, %dma_start3A_120] : memref<10112x128xbf16, #tpu.memory_space<vmem_shared>> -> memref<632x128xbf16, #tpu.memory_space<vmem_shared>>
      tpu.enqueue_dma source(%dma_start3A_121 : memref<632x128xbf16, #tpu.memory_space<vmem_shared>>) target(%dma_start3A_119 : memref<632x128xbf16, #tpu.memory_space<hbm>>) target_semaphore(%run_scoped3A_116 : memref<!tpu.dma_semaphore, #tpu.memory_space<semaphore_mem>>)
      %dma_wait3A_122 = arith.constant 0 : i32
      %dma_wait3A_123 = tpu.memref_slice %arg6[%arg0, %mul3A_115, %dma_wait3A_122] : memref<2x10112x128xbf16, #tpu.memory_space<hbm>> -> memref<1x632x128xbf16, #tpu.memory_space<hbm>>
      %dma_wait3A_124 = tpu.memref_squeeze %dma_wait3A_123 : memref<1x632x128xbf16, #tpu.memory_space<hbm>> -> memref<632x128xbf16, #tpu.memory_space<hbm>>
      %dma_wait3A_125 = arith.constant 0 : i32
      %dma_wait3A_126 = tpu.memref_slice %arg10[%mul3A_113, %dma_wait3A_125] : memref<10112x128xbf16, #tpu.memory_space<vmem_shared>> -> memref<632x128xbf16, #tpu.memory_space<vmem_shared>>
      tpu.wait_dma2 semaphore(%run_scoped3A_116 : memref<!tpu.dma_semaphore, #tpu.memory_space<semaphore_mem>>) src(%dma_wait3A_126 : memref<632x128xbf16, #tpu.memory_space<vmem_shared>>) dst(%dma_wait3A_124 : memref<632x128xbf16, #tpu.memory_space<hbm>>)
      tpu.yield
    }) : () -> ()
    return
  }
}

#map = affine_map<(d0, d1) -> (0, 0)>
#map1 = affine_map<(d0, d1) -> (0, 0, 0)>
module attributes {stable_mosaic.version = 14 : i64} {
  func.func @agg(%arg0: i32, %arg1: i32, %arg2: memref<10112x16xf32, #tpu.memory_space<hbm>>, %arg3: memref<32x80x128xi32, #tpu.memory_space<hbm>>, %arg4: memref<32x80x128xi32, #tpu.memory_space<hbm>>, %arg5: memref<10112x16xf32, #tpu.memory_space<hbm>>, %arg6: memref<2x10112x16xf32, #tpu.memory_space<hbm>>, %arg7: memref<80x128xi32, #tpu.memory_space<vmem>>, %arg8: memref<80x128xi32, #tpu.memory_space<vmem>>, %arg9: memref<4x128x16xf32, #tpu.memory_space<vmem>>, %arg10: memref<10112x16xf32, #tpu.memory_space<vmem_shared>>, %arg11: memref<!tpu.dma_semaphore, #tpu.memory_space<semaphore_mem>>, %arg12: memref<!tpu.dma_semaphore, #tpu.memory_space<semaphore_mem>>, %arg13: memref<!tpu.dma_semaphore, #tpu.memory_space<semaphore_mem>>, %arg14: memref<!tpu.dma_semaphore, #tpu.memory_space<semaphore_mem>>) attributes {dimension_semantics = [#tpu.dimension_semantics<core_parallel>, #tpu.dimension_semantics<subcore_parallel>], iteration_bounds = array<i64: 2, 16>, scalar_prefetch = 0 : i64, scratch_operands = 8 : i64, tpu.core_type = #tpu.core_type<sc_vector_subcore>, window_params = [{transform_indices = #map}, {transform_indices = #map1}, {transform_indices = #map1}, {transform_indices = #map}, {transform_indices = #map1}]} {
    %mul3A = arith.constant 16 : i32
    %mul3A_0 = arith.muli %arg0, %mul3A : i32
    %add3A = arith.addi %mul3A_0, %arg1 : i32
    %mul3A_1 = arith.constant 632 : i32
    %mul3A_2 = arith.muli %arg1, %mul3A_1 : i32
    %mul3A_3 = arith.constant 632 : i32
    %mul3A_4 = arith.muli %arg1, %mul3A_3 : i32
    "tpu.region"() ({
      %run_scoped3A_116 = tpu.sem_alloc : memref<!tpu.dma_semaphore, #tpu.memory_space<semaphore_mem>>
      %dma_start3A_117 = arith.constant 0 : i32
      %dma_start3A_118 = tpu.memref_slice %arg10[%mul3A_4, %dma_start3A_117] : memref<10112x16xf32, #tpu.memory_space<vmem_shared>> -> memref<632x16xf32, #tpu.memory_space<vmem_shared>>
      %dma_start3A_119 = arith.constant 0 : i32
      %dma_start3A_120 = tpu.memref_slice %arg5[%mul3A_2, %dma_start3A_119] : memref<10112x16xf32, #tpu.memory_space<hbm>> -> memref<632x16xf32, #tpu.memory_space<hbm>>
      tpu.enqueue_dma source(%dma_start3A_120 : memref<632x16xf32, #tpu.memory_space<hbm>>) target(%dma_start3A_118 : memref<632x16xf32, #tpu.memory_space<vmem_shared>>) target_semaphore(%run_scoped3A_116 : memref<!tpu.dma_semaphore, #tpu.memory_space<semaphore_mem>>)
      %dma_wait3A_121 = arith.constant 0 : i32
      %dma_wait3A_122 = tpu.memref_slice %arg10[%mul3A_4, %dma_wait3A_121] : memref<10112x16xf32, #tpu.memory_space<vmem_shared>> -> memref<632x16xf32, #tpu.memory_space<vmem_shared>>
      %dma_wait3A_123 = arith.constant 0 : i32
      %dma_wait3A_124 = tpu.memref_slice %arg5[%mul3A_2, %dma_wait3A_123] : memref<10112x16xf32, #tpu.memory_space<hbm>> -> memref<632x16xf32, #tpu.memory_space<hbm>>
      tpu.wait_dma2 semaphore(%run_scoped3A_116 : memref<!tpu.dma_semaphore, #tpu.memory_space<semaphore_mem>>) src(%dma_wait3A_124 : memref<632x16xf32, #tpu.memory_space<hbm>>) dst(%dma_wait3A_122 : memref<632x16xf32, #tpu.memory_space<vmem_shared>>)
      tpu.yield
    }) : () -> ()
    "tpu.region"() ({
      %run_scoped3A_116 = tpu.sem_alloc : memref<!tpu.dma_semaphore, #tpu.memory_space<semaphore_mem>>
      %dma_start3A_117 = arith.constant 0 : i32
      %dma_start3A_118 = arith.constant 0 : i32
      %dma_start3A_119 = tpu.memref_slice %arg3[%add3A, %dma_start3A_117, %dma_start3A_118] : memref<32x80x128xi32, #tpu.memory_space<hbm>> -> memref<1x80x128xi32, #tpu.memory_space<hbm>>
      %dma_start3A_120 = tpu.memref_squeeze %dma_start3A_119 : memref<1x80x128xi32, #tpu.memory_space<hbm>> -> memref<80x128xi32, #tpu.memory_space<hbm>>
      %dma_start3A_121 = arith.constant 0 : i32
      %dma_start3A_122 = arith.constant 0 : i32
      %dma_start3A_123 = tpu.memref_slice %arg3[%add3A, %dma_start3A_121, %dma_start3A_122] : memref<32x80x128xi32, #tpu.memory_space<hbm>> -> memref<1x80x128xi32, #tpu.memory_space<hbm>>
      %dma_start3A_124 = tpu.memref_squeeze %dma_start3A_123 : memref<1x80x128xi32, #tpu.memory_space<hbm>> -> memref<80x128xi32, #tpu.memory_space<hbm>>
      tpu.enqueue_dma source(%dma_start3A_124 : memref<80x128xi32, #tpu.memory_space<hbm>>) target(%arg7 : memref<80x128xi32, #tpu.memory_space<vmem>>) target_semaphore(%run_scoped3A_116 : memref<!tpu.dma_semaphore, #tpu.memory_space<semaphore_mem>>)
      %dma_wait3A_125 = arith.constant 0 : i32
      %dma_wait3A_126 = arith.constant 0 : i32
      %dma_wait3A_127 = tpu.memref_slice %arg3[%add3A, %dma_wait3A_125, %dma_wait3A_126] : memref<32x80x128xi32, #tpu.memory_space<hbm>> -> memref<1x80x128xi32, #tpu.memory_space<hbm>>
      %dma_wait3A_128 = tpu.memref_squeeze %dma_wait3A_127 : memref<1x80x128xi32, #tpu.memory_space<hbm>> -> memref<80x128xi32, #tpu.memory_space<hbm>>
      %dma_wait3A_129 = arith.constant 0 : i32
      %dma_wait3A_130 = arith.constant 0 : i32
      %dma_wait3A_131 = tpu.memref_slice %arg3[%add3A, %dma_wait3A_129, %dma_wait3A_130] : memref<32x80x128xi32, #tpu.memory_space<hbm>> -> memref<1x80x128xi32, #tpu.memory_space<hbm>>
      %dma_wait3A_132 = tpu.memref_squeeze %dma_wait3A_131 : memref<1x80x128xi32, #tpu.memory_space<hbm>> -> memref<80x128xi32, #tpu.memory_space<hbm>>
      tpu.wait_dma2 semaphore(%run_scoped3A_116 : memref<!tpu.dma_semaphore, #tpu.memory_space<semaphore_mem>>) src(%dma_wait3A_132 : memref<80x128xi32, #tpu.memory_space<hbm>>) dst(%arg7 : memref<80x128xi32, #tpu.memory_space<vmem>>)
      tpu.yield
    }) : () -> ()
    "tpu.region"() ({
      %run_scoped3A_116 = tpu.sem_alloc : memref<!tpu.dma_semaphore, #tpu.memory_space<semaphore_mem>>
      %dma_start3A_117 = arith.constant 0 : i32
      %dma_start3A_118 = arith.constant 0 : i32
      %dma_start3A_119 = tpu.memref_slice %arg4[%add3A, %dma_start3A_117, %dma_start3A_118] : memref<32x80x128xi32, #tpu.memory_space<hbm>> -> memref<1x80x128xi32, #tpu.memory_space<hbm>>
      %dma_start3A_120 = tpu.memref_squeeze %dma_start3A_119 : memref<1x80x128xi32, #tpu.memory_space<hbm>> -> memref<80x128xi32, #tpu.memory_space<hbm>>
      %dma_start3A_121 = arith.constant 0 : i32
      %dma_start3A_122 = arith.constant 0 : i32
      %dma_start3A_123 = tpu.memref_slice %arg4[%add3A, %dma_start3A_121, %dma_start3A_122] : memref<32x80x128xi32, #tpu.memory_space<hbm>> -> memref<1x80x128xi32, #tpu.memory_space<hbm>>
      %dma_start3A_124 = tpu.memref_squeeze %dma_start3A_123 : memref<1x80x128xi32, #tpu.memory_space<hbm>> -> memref<80x128xi32, #tpu.memory_space<hbm>>
      tpu.enqueue_dma source(%dma_start3A_124 : memref<80x128xi32, #tpu.memory_space<hbm>>) target(%arg8 : memref<80x128xi32, #tpu.memory_space<vmem>>) target_semaphore(%run_scoped3A_116 : memref<!tpu.dma_semaphore, #tpu.memory_space<semaphore_mem>>)
      %dma_wait3A_125 = arith.constant 0 : i32
      %dma_wait3A_126 = arith.constant 0 : i32
      %dma_wait3A_127 = tpu.memref_slice %arg4[%add3A, %dma_wait3A_125, %dma_wait3A_126] : memref<32x80x128xi32, #tpu.memory_space<hbm>> -> memref<1x80x128xi32, #tpu.memory_space<hbm>>
      %dma_wait3A_128 = tpu.memref_squeeze %dma_wait3A_127 : memref<1x80x128xi32, #tpu.memory_space<hbm>> -> memref<80x128xi32, #tpu.memory_space<hbm>>
      %dma_wait3A_129 = arith.constant 0 : i32
      %dma_wait3A_130 = arith.constant 0 : i32
      %dma_wait3A_131 = tpu.memref_slice %arg4[%add3A, %dma_wait3A_129, %dma_wait3A_130] : memref<32x80x128xi32, #tpu.memory_space<hbm>> -> memref<1x80x128xi32, #tpu.memory_space<hbm>>
      %dma_wait3A_132 = tpu.memref_squeeze %dma_wait3A_131 : memref<1x80x128xi32, #tpu.memory_space<hbm>> -> memref<80x128xi32, #tpu.memory_space<hbm>>
      tpu.wait_dma2 semaphore(%run_scoped3A_116 : memref<!tpu.dma_semaphore, #tpu.memory_space<semaphore_mem>>) src(%dma_wait3A_132 : memref<80x128xi32, #tpu.memory_space<hbm>>) dst(%arg8 : memref<80x128xi32, #tpu.memory_space<vmem>>)
      tpu.yield
    }) : () -> ()
    %barrier3A = arith.constant 0 : index
    tpu.barrier barrier_id(%barrier3A)
    %dma_start3A = arith.constant 0 : i32
    %dma_start3A_5 = arith.constant 0 : i32
    %dma_start3A_6 = arith.constant 0 : i32
    %dma_start3A_7 = arith.constant 0 : i32
    %dma_start3A_8 = tpu.memref_slice %arg9[%dma_start3A_5, %dma_start3A_6, %dma_start3A_7] : memref<4x128x16xf32, #tpu.memory_space<vmem>> -> memref<1x128x16xf32, #tpu.memory_space<vmem>>
    %dma_start3A_9 = tpu.memref_squeeze %dma_start3A_8 : memref<1x128x16xf32, #tpu.memory_space<vmem>> -> memref<128x16xf32, #tpu.memory_space<vmem>>
    %dma_start3A_10 = arith.constant 0 : i32
    %dma_start3A_11 = tpu.memref_slice %arg7[%dma_start3A, %dma_start3A_10] : memref<80x128xi32, #tpu.memory_space<vmem>> -> memref<1x128xi32, #tpu.memory_space<vmem>>
    %dma_start3A_12 = tpu.memref_squeeze %dma_start3A_11 : memref<1x128xi32, #tpu.memory_space<vmem>> -> memref<128xi32, #tpu.memory_space<vmem>>
    %dma_start3A_13 = arith.constant 0 : i32
    %dma_start3A_14 = arith.constant 0 : i32
    %dma_start3A_15 = tpu.memref_slice %arg2[%dma_start3A_13, %dma_start3A_14] : memref<10112x16xf32, #tpu.memory_space<hbm>> -> memref<10112x16xf32, #tpu.memory_space<hbm>>
    tpu.enqueue_indirect_dma source(%dma_start3A_15 : memref<10112x16xf32, #tpu.memory_space<hbm>>) target(%dma_start3A_9 : memref<128x16xf32, #tpu.memory_space<vmem>>) offsets(%dma_start3A_12 : memref<128xi32, #tpu.memory_space<vmem>>) semaphore(%arg11 : memref<!tpu.dma_semaphore, #tpu.memory_space<semaphore_mem>>)
    %dma_start3A_16 = arith.constant 1 : i32
    %dma_start3A_17 = arith.constant 1 : i32
    %dma_start3A_18 = arith.constant 0 : i32
    %dma_start3A_19 = arith.constant 0 : i32
    %dma_start3A_20 = tpu.memref_slice %arg9[%dma_start3A_17, %dma_start3A_18, %dma_start3A_19] : memref<4x128x16xf32, #tpu.memory_space<vmem>> -> memref<1x128x16xf32, #tpu.memory_space<vmem>>
    %dma_start3A_21 = tpu.memref_squeeze %dma_start3A_20 : memref<1x128x16xf32, #tpu.memory_space<vmem>> -> memref<128x16xf32, #tpu.memory_space<vmem>>
    %dma_start3A_22 = arith.constant 0 : i32
    %dma_start3A_23 = tpu.memref_slice %arg7[%dma_start3A_16, %dma_start3A_22] : memref<80x128xi32, #tpu.memory_space<vmem>> -> memref<1x128xi32, #tpu.memory_space<vmem>>
    %dma_start3A_24 = tpu.memref_squeeze %dma_start3A_23 : memref<1x128xi32, #tpu.memory_space<vmem>> -> memref<128xi32, #tpu.memory_space<vmem>>
    %dma_start3A_25 = arith.constant 0 : i32
    %dma_start3A_26 = arith.constant 0 : i32
    %dma_start3A_27 = tpu.memref_slice %arg2[%dma_start3A_25, %dma_start3A_26] : memref<10112x16xf32, #tpu.memory_space<hbm>> -> memref<10112x16xf32, #tpu.memory_space<hbm>>
    tpu.enqueue_indirect_dma source(%dma_start3A_27 : memref<10112x16xf32, #tpu.memory_space<hbm>>) target(%dma_start3A_21 : memref<128x16xf32, #tpu.memory_space<vmem>>) offsets(%dma_start3A_24 : memref<128xi32, #tpu.memory_space<vmem>>) semaphore(%arg12 : memref<!tpu.dma_semaphore, #tpu.memory_space<semaphore_mem>>)
    %dma_start3A_28 = arith.constant 2 : i32
    %dma_start3A_29 = arith.constant 2 : i32
    %dma_start3A_30 = arith.constant 0 : i32
    %dma_start3A_31 = arith.constant 0 : i32
    %dma_start3A_32 = tpu.memref_slice %arg9[%dma_start3A_29, %dma_start3A_30, %dma_start3A_31] : memref<4x128x16xf32, #tpu.memory_space<vmem>> -> memref<1x128x16xf32, #tpu.memory_space<vmem>>
    %dma_start3A_33 = tpu.memref_squeeze %dma_start3A_32 : memref<1x128x16xf32, #tpu.memory_space<vmem>> -> memref<128x16xf32, #tpu.memory_space<vmem>>
    %dma_start3A_34 = arith.constant 0 : i32
    %dma_start3A_35 = tpu.memref_slice %arg7[%dma_start3A_28, %dma_start3A_34] : memref<80x128xi32, #tpu.memory_space<vmem>> -> memref<1x128xi32, #tpu.memory_space<vmem>>
    %dma_start3A_36 = tpu.memref_squeeze %dma_start3A_35 : memref<1x128xi32, #tpu.memory_space<vmem>> -> memref<128xi32, #tpu.memory_space<vmem>>
    %dma_start3A_37 = arith.constant 0 : i32
    %dma_start3A_38 = arith.constant 0 : i32
    %dma_start3A_39 = tpu.memref_slice %arg2[%dma_start3A_37, %dma_start3A_38] : memref<10112x16xf32, #tpu.memory_space<hbm>> -> memref<10112x16xf32, #tpu.memory_space<hbm>>
    tpu.enqueue_indirect_dma source(%dma_start3A_39 : memref<10112x16xf32, #tpu.memory_space<hbm>>) target(%dma_start3A_33 : memref<128x16xf32, #tpu.memory_space<vmem>>) offsets(%dma_start3A_36 : memref<128xi32, #tpu.memory_space<vmem>>) semaphore(%arg13 : memref<!tpu.dma_semaphore, #tpu.memory_space<semaphore_mem>>)
    %dma_start3A_40 = arith.constant 3 : i32
    %dma_start3A_41 = arith.constant 3 : i32
    %dma_start3A_42 = arith.constant 0 : i32
    %dma_start3A_43 = arith.constant 0 : i32
    %dma_start3A_44 = tpu.memref_slice %arg9[%dma_start3A_41, %dma_start3A_42, %dma_start3A_43] : memref<4x128x16xf32, #tpu.memory_space<vmem>> -> memref<1x128x16xf32, #tpu.memory_space<vmem>>
    %dma_start3A_45 = tpu.memref_squeeze %dma_start3A_44 : memref<1x128x16xf32, #tpu.memory_space<vmem>> -> memref<128x16xf32, #tpu.memory_space<vmem>>
    %dma_start3A_46 = arith.constant 0 : i32
    %dma_start3A_47 = tpu.memref_slice %arg7[%dma_start3A_40, %dma_start3A_46] : memref<80x128xi32, #tpu.memory_space<vmem>> -> memref<1x128xi32, #tpu.memory_space<vmem>>
    %dma_start3A_48 = tpu.memref_squeeze %dma_start3A_47 : memref<1x128xi32, #tpu.memory_space<vmem>> -> memref<128xi32, #tpu.memory_space<vmem>>
    %dma_start3A_49 = arith.constant 0 : i32
    %dma_start3A_50 = arith.constant 0 : i32
    %dma_start3A_51 = tpu.memref_slice %arg2[%dma_start3A_49, %dma_start3A_50] : memref<10112x16xf32, #tpu.memory_space<hbm>> -> memref<10112x16xf32, #tpu.memory_space<hbm>>
    tpu.enqueue_indirect_dma source(%dma_start3A_51 : memref<10112x16xf32, #tpu.memory_space<hbm>>) target(%dma_start3A_45 : memref<128x16xf32, #tpu.memory_space<vmem>>) offsets(%dma_start3A_48 : memref<128xi32, #tpu.memory_space<vmem>>) semaphore(%arg14 : memref<!tpu.dma_semaphore, #tpu.memory_space<semaphore_mem>>)
    %scan3A = arith.constant 0 : i32
    %scan3A_52 = arith.constant 0 : i32
    %scan3A_53 = arith.constant 19 : i32
    %scan3A_54 = arith.addi %scan3A_52, %scan3A_53 : i32
    %scan3A_55 = arith.constant 1 : i32
    scf.for %scan3A_116 = %scan3A_52 to %scan3A_54 step %scan3A_55  : i32 {
      %mul3A_117 = arith.constant 4 : i32
      %mul3A_118 = arith.muli %mul3A_117, %scan3A_116 : i32
      %add3A_119 = arith.constant 0 : i32
      %add3A_120 = arith.addi %mul3A_118, %add3A_119 : i32
      %dma_wait3A_121 = arith.constant 0 : i32
      %dma_wait3A_122 = arith.constant 0 : i32
      %dma_wait3A_123 = arith.constant 0 : i32
      %dma_wait3A_124 = tpu.memref_slice %arg9[%dma_wait3A_121, %dma_wait3A_122, %dma_wait3A_123] : memref<4x128x16xf32, #tpu.memory_space<vmem>> -> memref<1x128x16xf32, #tpu.memory_space<vmem>>
      %dma_wait3A_125 = tpu.memref_squeeze %dma_wait3A_124 : memref<1x128x16xf32, #tpu.memory_space<vmem>> -> memref<128x16xf32, #tpu.memory_space<vmem>>
      %dma_wait3A_126 = arith.constant 0 : i32
      %dma_wait3A_127 = tpu.memref_slice %arg7[%add3A_120, %dma_wait3A_126] : memref<80x128xi32, #tpu.memory_space<vmem>> -> memref<1x128xi32, #tpu.memory_space<vmem>>
      %dma_wait3A_128 = tpu.memref_squeeze %dma_wait3A_127 : memref<1x128xi32, #tpu.memory_space<vmem>> -> memref<128xi32, #tpu.memory_space<vmem>>
      %dma_wait3A_129 = arith.constant 0 : i32
      %dma_wait3A_130 = arith.constant 0 : i32
      %dma_wait3A_131 = tpu.memref_slice %arg2[%dma_wait3A_129, %dma_wait3A_130] : memref<10112x16xf32, #tpu.memory_space<hbm>> -> memref<10112x16xf32, #tpu.memory_space<hbm>>
      tpu.wait_indirect_dma semaphore(%arg11 : memref<!tpu.dma_semaphore, #tpu.memory_space<semaphore_mem>>) src(%dma_wait3A_131 : memref<10112x16xf32, #tpu.memory_space<hbm>>) dst(%dma_wait3A_125 : memref<128x16xf32, #tpu.memory_space<vmem>>)
      %run_scoped3A_132 = arith.constant 0 : i32
      "tpu.region"() ({
        %run_scoped3A_233 = tpu.sem_alloc : memref<!tpu.dma_semaphore, #tpu.memory_space<semaphore_mem>>
        %dma_start3A_234 = arith.constant 0 : i32
        %dma_start3A_235 = arith.constant 0 : i32
        %dma_start3A_236 = tpu.memref_slice %arg9[%run_scoped3A_132, %dma_start3A_234, %dma_start3A_235] : memref<4x128x16xf32, #tpu.memory_space<vmem>> -> memref<1x128x16xf32, #tpu.memory_space<vmem>>
        %dma_start3A_237 = tpu.memref_squeeze %dma_start3A_236 : memref<1x128x16xf32, #tpu.memory_space<vmem>> -> memref<128x16xf32, #tpu.memory_space<vmem>>
        %dma_start3A_238 = arith.constant 0 : i32
        %dma_start3A_239 = tpu.memref_slice %arg8[%add3A_120, %dma_start3A_238] : memref<80x128xi32, #tpu.memory_space<vmem>> -> memref<1x128xi32, #tpu.memory_space<vmem>>
        %dma_start3A_240 = tpu.memref_squeeze %dma_start3A_239 : memref<1x128xi32, #tpu.memory_space<vmem>> -> memref<128xi32, #tpu.memory_space<vmem>>
        %dma_start3A_241 = arith.constant 0 : i32
        %dma_start3A_242 = arith.constant 0 : i32
        %dma_start3A_243 = tpu.memref_slice %arg10[%dma_start3A_241, %dma_start3A_242] : memref<10112x16xf32, #tpu.memory_space<vmem_shared>> -> memref<10112x16xf32, #tpu.memory_space<vmem_shared>>
        tpu.enqueue_indirect_dma source(%dma_start3A_237 : memref<128x16xf32, #tpu.memory_space<vmem>>) target(%dma_start3A_243 : memref<10112x16xf32, #tpu.memory_space<vmem_shared>>) offsets(%dma_start3A_240 : memref<128xi32, #tpu.memory_space<vmem>>) semaphore(%run_scoped3A_233 : memref<!tpu.dma_semaphore, #tpu.memory_space<semaphore_mem>>) {add = true}
        %dma_wait3A_244 = arith.constant 0 : i32
        %dma_wait3A_245 = arith.constant 0 : i32
        %dma_wait3A_246 = tpu.memref_slice %arg9[%run_scoped3A_132, %dma_wait3A_244, %dma_wait3A_245] : memref<4x128x16xf32, #tpu.memory_space<vmem>> -> memref<1x128x16xf32, #tpu.memory_space<vmem>>
        %dma_wait3A_247 = tpu.memref_squeeze %dma_wait3A_246 : memref<1x128x16xf32, #tpu.memory_space<vmem>> -> memref<128x16xf32, #tpu.memory_space<vmem>>
        %dma_wait3A_248 = arith.constant 0 : i32
        %dma_wait3A_249 = tpu.memref_slice %arg8[%add3A_120, %dma_wait3A_248] : memref<80x128xi32, #tpu.memory_space<vmem>> -> memref<1x128xi32, #tpu.memory_space<vmem>>
        %dma_wait3A_250 = tpu.memref_squeeze %dma_wait3A_249 : memref<1x128xi32, #tpu.memory_space<vmem>> -> memref<128xi32, #tpu.memory_space<vmem>>
        %dma_wait3A_251 = arith.constant 0 : i32
        %dma_wait3A_252 = arith.constant 0 : i32
        %dma_wait3A_253 = tpu.memref_slice %arg10[%dma_wait3A_251, %dma_wait3A_252] : memref<10112x16xf32, #tpu.memory_space<vmem_shared>> -> memref<10112x16xf32, #tpu.memory_space<vmem_shared>>
        tpu.wait_indirect_dma semaphore(%run_scoped3A_233 : memref<!tpu.dma_semaphore, #tpu.memory_space<semaphore_mem>>) src(%dma_wait3A_247 : memref<128x16xf32, #tpu.memory_space<vmem>>) dst(%dma_wait3A_253 : memref<10112x16xf32, #tpu.memory_space<vmem_shared>>)
        tpu.yield
      }) : () -> ()
      %add3A_133 = arith.constant 4 : i32
      %add3A_134 = arith.addi %add3A_120, %add3A_133 : i32
      %dma_start3A_135 = arith.constant 0 : i32
      %dma_start3A_136 = arith.constant 0 : i32
      %dma_start3A_137 = arith.constant 0 : i32
      %dma_start3A_138 = tpu.memref_slice %arg9[%dma_start3A_135, %dma_start3A_136, %dma_start3A_137] : memref<4x128x16xf32, #tpu.memory_space<vmem>> -> memref<1x128x16xf32, #tpu.memory_space<vmem>>
      %dma_start3A_139 = tpu.memref_squeeze %dma_start3A_138 : memref<1x128x16xf32, #tpu.memory_space<vmem>> -> memref<128x16xf32, #tpu.memory_space<vmem>>
      %dma_start3A_140 = arith.constant 0 : i32
      %dma_start3A_141 = tpu.memref_slice %arg7[%add3A_134, %dma_start3A_140] : memref<80x128xi32, #tpu.memory_space<vmem>> -> memref<1x128xi32, #tpu.memory_space<vmem>>
      %dma_start3A_142 = tpu.memref_squeeze %dma_start3A_141 : memref<1x128xi32, #tpu.memory_space<vmem>> -> memref<128xi32, #tpu.memory_space<vmem>>
      %dma_start3A_143 = arith.constant 0 : i32
      %dma_start3A_144 = arith.constant 0 : i32
      %dma_start3A_145 = tpu.memref_slice %arg2[%dma_start3A_143, %dma_start3A_144] : memref<10112x16xf32, #tpu.memory_space<hbm>> -> memref<10112x16xf32, #tpu.memory_space<hbm>>
      tpu.enqueue_indirect_dma source(%dma_start3A_145 : memref<10112x16xf32, #tpu.memory_space<hbm>>) target(%dma_start3A_139 : memref<128x16xf32, #tpu.memory_space<vmem>>) offsets(%dma_start3A_142 : memref<128xi32, #tpu.memory_space<vmem>>) semaphore(%arg11 : memref<!tpu.dma_semaphore, #tpu.memory_space<semaphore_mem>>)
      %mul3A_146 = arith.constant 4 : i32
      %mul3A_147 = arith.muli %mul3A_146, %scan3A_116 : i32
      %add3A_148 = arith.constant 1 : i32
      %add3A_149 = arith.addi %mul3A_147, %add3A_148 : i32
      %dma_wait3A_150 = arith.constant 1 : i32
      %dma_wait3A_151 = arith.constant 0 : i32
      %dma_wait3A_152 = arith.constant 0 : i32
      %dma_wait3A_153 = tpu.memref_slice %arg9[%dma_wait3A_150, %dma_wait3A_151, %dma_wait3A_152] : memref<4x128x16xf32, #tpu.memory_space<vmem>> -> memref<1x128x16xf32, #tpu.memory_space<vmem>>
      %dma_wait3A_154 = tpu.memref_squeeze %dma_wait3A_153 : memref<1x128x16xf32, #tpu.memory_space<vmem>> -> memref<128x16xf32, #tpu.memory_space<vmem>>
      %dma_wait3A_155 = arith.constant 0 : i32
      %dma_wait3A_156 = tpu.memref_slice %arg7[%add3A_149, %dma_wait3A_155] : memref<80x128xi32, #tpu.memory_space<vmem>> -> memref<1x128xi32, #tpu.memory_space<vmem>>
      %dma_wait3A_157 = tpu.memref_squeeze %dma_wait3A_156 : memref<1x128xi32, #tpu.memory_space<vmem>> -> memref<128xi32, #tpu.memory_space<vmem>>
      %dma_wait3A_158 = arith.constant 0 : i32
      %dma_wait3A_159 = arith.constant 0 : i32
      %dma_wait3A_160 = tpu.memref_slice %arg2[%dma_wait3A_158, %dma_wait3A_159] : memref<10112x16xf32, #tpu.memory_space<hbm>> -> memref<10112x16xf32, #tpu.memory_space<hbm>>
      tpu.wait_indirect_dma semaphore(%arg12 : memref<!tpu.dma_semaphore, #tpu.memory_space<semaphore_mem>>) src(%dma_wait3A_160 : memref<10112x16xf32, #tpu.memory_space<hbm>>) dst(%dma_wait3A_154 : memref<128x16xf32, #tpu.memory_space<vmem>>)
      %run_scoped3A_161 = arith.constant 1 : i32
      "tpu.region"() ({
        %run_scoped3A_233 = tpu.sem_alloc : memref<!tpu.dma_semaphore, #tpu.memory_space<semaphore_mem>>
        %dma_start3A_234 = arith.constant 0 : i32
        %dma_start3A_235 = arith.constant 0 : i32
        %dma_start3A_236 = tpu.memref_slice %arg9[%run_scoped3A_161, %dma_start3A_234, %dma_start3A_235] : memref<4x128x16xf32, #tpu.memory_space<vmem>> -> memref<1x128x16xf32, #tpu.memory_space<vmem>>
        %dma_start3A_237 = tpu.memref_squeeze %dma_start3A_236 : memref<1x128x16xf32, #tpu.memory_space<vmem>> -> memref<128x16xf32, #tpu.memory_space<vmem>>
        %dma_start3A_238 = arith.constant 0 : i32
        %dma_start3A_239 = tpu.memref_slice %arg8[%add3A_149, %dma_start3A_238] : memref<80x128xi32, #tpu.memory_space<vmem>> -> memref<1x128xi32, #tpu.memory_space<vmem>>
        %dma_start3A_240 = tpu.memref_squeeze %dma_start3A_239 : memref<1x128xi32, #tpu.memory_space<vmem>> -> memref<128xi32, #tpu.memory_space<vmem>>
        %dma_start3A_241 = arith.constant 0 : i32
        %dma_start3A_242 = arith.constant 0 : i32
        %dma_start3A_243 = tpu.memref_slice %arg10[%dma_start3A_241, %dma_start3A_242] : memref<10112x16xf32, #tpu.memory_space<vmem_shared>> -> memref<10112x16xf32, #tpu.memory_space<vmem_shared>>
        tpu.enqueue_indirect_dma source(%dma_start3A_237 : memref<128x16xf32, #tpu.memory_space<vmem>>) target(%dma_start3A_243 : memref<10112x16xf32, #tpu.memory_space<vmem_shared>>) offsets(%dma_start3A_240 : memref<128xi32, #tpu.memory_space<vmem>>) semaphore(%run_scoped3A_233 : memref<!tpu.dma_semaphore, #tpu.memory_space<semaphore_mem>>) {add = true}
        %dma_wait3A_244 = arith.constant 0 : i32
        %dma_wait3A_245 = arith.constant 0 : i32
        %dma_wait3A_246 = tpu.memref_slice %arg9[%run_scoped3A_161, %dma_wait3A_244, %dma_wait3A_245] : memref<4x128x16xf32, #tpu.memory_space<vmem>> -> memref<1x128x16xf32, #tpu.memory_space<vmem>>
        %dma_wait3A_247 = tpu.memref_squeeze %dma_wait3A_246 : memref<1x128x16xf32, #tpu.memory_space<vmem>> -> memref<128x16xf32, #tpu.memory_space<vmem>>
        %dma_wait3A_248 = arith.constant 0 : i32
        %dma_wait3A_249 = tpu.memref_slice %arg8[%add3A_149, %dma_wait3A_248] : memref<80x128xi32, #tpu.memory_space<vmem>> -> memref<1x128xi32, #tpu.memory_space<vmem>>
        %dma_wait3A_250 = tpu.memref_squeeze %dma_wait3A_249 : memref<1x128xi32, #tpu.memory_space<vmem>> -> memref<128xi32, #tpu.memory_space<vmem>>
        %dma_wait3A_251 = arith.constant 0 : i32
        %dma_wait3A_252 = arith.constant 0 : i32
        %dma_wait3A_253 = tpu.memref_slice %arg10[%dma_wait3A_251, %dma_wait3A_252] : memref<10112x16xf32, #tpu.memory_space<vmem_shared>> -> memref<10112x16xf32, #tpu.memory_space<vmem_shared>>
        tpu.wait_indirect_dma semaphore(%run_scoped3A_233 : memref<!tpu.dma_semaphore, #tpu.memory_space<semaphore_mem>>) src(%dma_wait3A_247 : memref<128x16xf32, #tpu.memory_space<vmem>>) dst(%dma_wait3A_253 : memref<10112x16xf32, #tpu.memory_space<vmem_shared>>)
        tpu.yield
      }) : () -> ()
      %add3A_162 = arith.constant 4 : i32
      %add3A_163 = arith.addi %add3A_149, %add3A_162 : i32
      %dma_start3A_164 = arith.constant 1 : i32
      %dma_start3A_165 = arith.constant 0 : i32
      %dma_start3A_166 = arith.constant 0 : i32
      %dma_start3A_167 = tpu.memref_slice %arg9[%dma_start3A_164, %dma_start3A_165, %dma_start3A_166] : memref<4x128x16xf32, #tpu.memory_space<vmem>> -> memref<1x128x16xf32, #tpu.memory_space<vmem>>
      %dma_start3A_168 = tpu.memref_squeeze %dma_start3A_167 : memref<1x128x16xf32, #tpu.memory_space<vmem>> -> memref<128x16xf32, #tpu.memory_space<vmem>>
      %dma_start3A_169 = arith.constant 0 : i32
      %dma_start3A_170 = tpu.memref_slice %arg7[%add3A_163, %dma_start3A_169] : memref<80x128xi32, #tpu.memory_space<vmem>> -> memref<1x128xi32, #tpu.memory_space<vmem>>
      %dma_start3A_171 = tpu.memref_squeeze %dma_start3A_170 : memref<1x128xi32, #tpu.memory_space<vmem>> -> memref<128xi32, #tpu.memory_space<vmem>>
      %dma_start3A_172 = arith.constant 0 : i32
      %dma_start3A_173 = arith.constant 0 : i32
      %dma_start3A_174 = tpu.memref_slice %arg2[%dma_start3A_172, %dma_start3A_173] : memref<10112x16xf32, #tpu.memory_space<hbm>> -> memref<10112x16xf32, #tpu.memory_space<hbm>>
      tpu.enqueue_indirect_dma source(%dma_start3A_174 : memref<10112x16xf32, #tpu.memory_space<hbm>>) target(%dma_start3A_168 : memref<128x16xf32, #tpu.memory_space<vmem>>) offsets(%dma_start3A_171 : memref<128xi32, #tpu.memory_space<vmem>>) semaphore(%arg12 : memref<!tpu.dma_semaphore, #tpu.memory_space<semaphore_mem>>)
      %mul3A_175 = arith.constant 4 : i32
      %mul3A_176 = arith.muli %mul3A_175, %scan3A_116 : i32
      %add3A_177 = arith.constant 2 : i32
      %add3A_178 = arith.addi %mul3A_176, %add3A_177 : i32
      %dma_wait3A_179 = arith.constant 2 : i32
      %dma_wait3A_180 = arith.constant 0 : i32
      %dma_wait3A_181 = arith.constant 0 : i32
      %dma_wait3A_182 = tpu.memref_slice %arg9[%dma_wait3A_179, %dma_wait3A_180, %dma_wait3A_181] : memref<4x128x16xf32, #tpu.memory_space<vmem>> -> memref<1x128x16xf32, #tpu.memory_space<vmem>>
      %dma_wait3A_183 = tpu.memref_squeeze %dma_wait3A_182 : memref<1x128x16xf32, #tpu.memory_space<vmem>> -> memref<128x16xf32, #tpu.memory_space<vmem>>
      %dma_wait3A_184 = arith.constant 0 : i32
      %dma_wait3A_185 = tpu.memref_slice %arg7[%add3A_178, %dma_wait3A_184] : memref<80x128xi32, #tpu.memory_space<vmem>> -> memref<1x128xi32, #tpu.memory_space<vmem>>
      %dma_wait3A_186 = tpu.memref_squeeze %dma_wait3A_185 : memref<1x128xi32, #tpu.memory_space<vmem>> -> memref<128xi32, #tpu.memory_space<vmem>>
      %dma_wait3A_187 = arith.constant 0 : i32
      %dma_wait3A_188 = arith.constant 0 : i32
      %dma_wait3A_189 = tpu.memref_slice %arg2[%dma_wait3A_187, %dma_wait3A_188] : memref<10112x16xf32, #tpu.memory_space<hbm>> -> memref<10112x16xf32, #tpu.memory_space<hbm>>
      tpu.wait_indirect_dma semaphore(%arg13 : memref<!tpu.dma_semaphore, #tpu.memory_space<semaphore_mem>>) src(%dma_wait3A_189 : memref<10112x16xf32, #tpu.memory_space<hbm>>) dst(%dma_wait3A_183 : memref<128x16xf32, #tpu.memory_space<vmem>>)
      %run_scoped3A_190 = arith.constant 2 : i32
      "tpu.region"() ({
        %run_scoped3A_233 = tpu.sem_alloc : memref<!tpu.dma_semaphore, #tpu.memory_space<semaphore_mem>>
        %dma_start3A_234 = arith.constant 0 : i32
        %dma_start3A_235 = arith.constant 0 : i32
        %dma_start3A_236 = tpu.memref_slice %arg9[%run_scoped3A_190, %dma_start3A_234, %dma_start3A_235] : memref<4x128x16xf32, #tpu.memory_space<vmem>> -> memref<1x128x16xf32, #tpu.memory_space<vmem>>
        %dma_start3A_237 = tpu.memref_squeeze %dma_start3A_236 : memref<1x128x16xf32, #tpu.memory_space<vmem>> -> memref<128x16xf32, #tpu.memory_space<vmem>>
        %dma_start3A_238 = arith.constant 0 : i32
        %dma_start3A_239 = tpu.memref_slice %arg8[%add3A_178, %dma_start3A_238] : memref<80x128xi32, #tpu.memory_space<vmem>> -> memref<1x128xi32, #tpu.memory_space<vmem>>
        %dma_start3A_240 = tpu.memref_squeeze %dma_start3A_239 : memref<1x128xi32, #tpu.memory_space<vmem>> -> memref<128xi32, #tpu.memory_space<vmem>>
        %dma_start3A_241 = arith.constant 0 : i32
        %dma_start3A_242 = arith.constant 0 : i32
        %dma_start3A_243 = tpu.memref_slice %arg10[%dma_start3A_241, %dma_start3A_242] : memref<10112x16xf32, #tpu.memory_space<vmem_shared>> -> memref<10112x16xf32, #tpu.memory_space<vmem_shared>>
        tpu.enqueue_indirect_dma source(%dma_start3A_237 : memref<128x16xf32, #tpu.memory_space<vmem>>) target(%dma_start3A_243 : memref<10112x16xf32, #tpu.memory_space<vmem_shared>>) offsets(%dma_start3A_240 : memref<128xi32, #tpu.memory_space<vmem>>) semaphore(%run_scoped3A_233 : memref<!tpu.dma_semaphore, #tpu.memory_space<semaphore_mem>>) {add = true}
        %dma_wait3A_244 = arith.constant 0 : i32
        %dma_wait3A_245 = arith.constant 0 : i32
        %dma_wait3A_246 = tpu.memref_slice %arg9[%run_scoped3A_190, %dma_wait3A_244, %dma_wait3A_245] : memref<4x128x16xf32, #tpu.memory_space<vmem>> -> memref<1x128x16xf32, #tpu.memory_space<vmem>>
        %dma_wait3A_247 = tpu.memref_squeeze %dma_wait3A_246 : memref<1x128x16xf32, #tpu.memory_space<vmem>> -> memref<128x16xf32, #tpu.memory_space<vmem>>
        %dma_wait3A_248 = arith.constant 0 : i32
        %dma_wait3A_249 = tpu.memref_slice %arg8[%add3A_178, %dma_wait3A_248] : memref<80x128xi32, #tpu.memory_space<vmem>> -> memref<1x128xi32, #tpu.memory_space<vmem>>
        %dma_wait3A_250 = tpu.memref_squeeze %dma_wait3A_249 : memref<1x128xi32, #tpu.memory_space<vmem>> -> memref<128xi32, #tpu.memory_space<vmem>>
        %dma_wait3A_251 = arith.constant 0 : i32
        %dma_wait3A_252 = arith.constant 0 : i32
        %dma_wait3A_253 = tpu.memref_slice %arg10[%dma_wait3A_251, %dma_wait3A_252] : memref<10112x16xf32, #tpu.memory_space<vmem_shared>> -> memref<10112x16xf32, #tpu.memory_space<vmem_shared>>
        tpu.wait_indirect_dma semaphore(%run_scoped3A_233 : memref<!tpu.dma_semaphore, #tpu.memory_space<semaphore_mem>>) src(%dma_wait3A_247 : memref<128x16xf32, #tpu.memory_space<vmem>>) dst(%dma_wait3A_253 : memref<10112x16xf32, #tpu.memory_space<vmem_shared>>)
        tpu.yield
      }) : () -> ()
      %add3A_191 = arith.constant 4 : i32
      %add3A_192 = arith.addi %add3A_178, %add3A_191 : i32
      %dma_start3A_193 = arith.constant 2 : i32
      %dma_start3A_194 = arith.constant 0 : i32
      %dma_start3A_195 = arith.constant 0 : i32
      %dma_start3A_196 = tpu.memref_slice %arg9[%dma_start3A_193, %dma_start3A_194, %dma_start3A_195] : memref<4x128x16xf32, #tpu.memory_space<vmem>> -> memref<1x128x16xf32, #tpu.memory_space<vmem>>
      %dma_start3A_197 = tpu.memref_squeeze %dma_start3A_196 : memref<1x128x16xf32, #tpu.memory_space<vmem>> -> memref<128x16xf32, #tpu.memory_space<vmem>>
      %dma_start3A_198 = arith.constant 0 : i32
      %dma_start3A_199 = tpu.memref_slice %arg7[%add3A_192, %dma_start3A_198] : memref<80x128xi32, #tpu.memory_space<vmem>> -> memref<1x128xi32, #tpu.memory_space<vmem>>
      %dma_start3A_200 = tpu.memref_squeeze %dma_start3A_199 : memref<1x128xi32, #tpu.memory_space<vmem>> -> memref<128xi32, #tpu.memory_space<vmem>>
      %dma_start3A_201 = arith.constant 0 : i32
      %dma_start3A_202 = arith.constant 0 : i32
      %dma_start3A_203 = tpu.memref_slice %arg2[%dma_start3A_201, %dma_start3A_202] : memref<10112x16xf32, #tpu.memory_space<hbm>> -> memref<10112x16xf32, #tpu.memory_space<hbm>>
      tpu.enqueue_indirect_dma source(%dma_start3A_203 : memref<10112x16xf32, #tpu.memory_space<hbm>>) target(%dma_start3A_197 : memref<128x16xf32, #tpu.memory_space<vmem>>) offsets(%dma_start3A_200 : memref<128xi32, #tpu.memory_space<vmem>>) semaphore(%arg13 : memref<!tpu.dma_semaphore, #tpu.memory_space<semaphore_mem>>)
      %mul3A_204 = arith.constant 4 : i32
      %mul3A_205 = arith.muli %mul3A_204, %scan3A_116 : i32
      %add3A_206 = arith.constant 3 : i32
      %add3A_207 = arith.addi %mul3A_205, %add3A_206 : i32
      %dma_wait3A_208 = arith.constant 3 : i32
      %dma_wait3A_209 = arith.constant 0 : i32
      %dma_wait3A_210 = arith.constant 0 : i32
      %dma_wait3A_211 = tpu.memref_slice %arg9[%dma_wait3A_208, %dma_wait3A_209, %dma_wait3A_210] : memref<4x128x16xf32, #tpu.memory_space<vmem>> -> memref<1x128x16xf32, #tpu.memory_space<vmem>>
      %dma_wait3A_212 = tpu.memref_squeeze %dma_wait3A_211 : memref<1x128x16xf32, #tpu.memory_space<vmem>> -> memref<128x16xf32, #tpu.memory_space<vmem>>
      %dma_wait3A_213 = arith.constant 0 : i32
      %dma_wait3A_214 = tpu.memref_slice %arg7[%add3A_207, %dma_wait3A_213] : memref<80x128xi32, #tpu.memory_space<vmem>> -> memref<1x128xi32, #tpu.memory_space<vmem>>
      %dma_wait3A_215 = tpu.memref_squeeze %dma_wait3A_214 : memref<1x128xi32, #tpu.memory_space<vmem>> -> memref<128xi32, #tpu.memory_space<vmem>>
      %dma_wait3A_216 = arith.constant 0 : i32
      %dma_wait3A_217 = arith.constant 0 : i32
      %dma_wait3A_218 = tpu.memref_slice %arg2[%dma_wait3A_216, %dma_wait3A_217] : memref<10112x16xf32, #tpu.memory_space<hbm>> -> memref<10112x16xf32, #tpu.memory_space<hbm>>
      tpu.wait_indirect_dma semaphore(%arg14 : memref<!tpu.dma_semaphore, #tpu.memory_space<semaphore_mem>>) src(%dma_wait3A_218 : memref<10112x16xf32, #tpu.memory_space<hbm>>) dst(%dma_wait3A_212 : memref<128x16xf32, #tpu.memory_space<vmem>>)
      %run_scoped3A_219 = arith.constant 3 : i32
      "tpu.region"() ({
        %run_scoped3A_233 = tpu.sem_alloc : memref<!tpu.dma_semaphore, #tpu.memory_space<semaphore_mem>>
        %dma_start3A_234 = arith.constant 0 : i32
        %dma_start3A_235 = arith.constant 0 : i32
        %dma_start3A_236 = tpu.memref_slice %arg9[%run_scoped3A_219, %dma_start3A_234, %dma_start3A_235] : memref<4x128x16xf32, #tpu.memory_space<vmem>> -> memref<1x128x16xf32, #tpu.memory_space<vmem>>
        %dma_start3A_237 = tpu.memref_squeeze %dma_start3A_236 : memref<1x128x16xf32, #tpu.memory_space<vmem>> -> memref<128x16xf32, #tpu.memory_space<vmem>>
        %dma_start3A_238 = arith.constant 0 : i32
        %dma_start3A_239 = tpu.memref_slice %arg8[%add3A_207, %dma_start3A_238] : memref<80x128xi32, #tpu.memory_space<vmem>> -> memref<1x128xi32, #tpu.memory_space<vmem>>
        %dma_start3A_240 = tpu.memref_squeeze %dma_start3A_239 : memref<1x128xi32, #tpu.memory_space<vmem>> -> memref<128xi32, #tpu.memory_space<vmem>>
        %dma_start3A_241 = arith.constant 0 : i32
        %dma_start3A_242 = arith.constant 0 : i32
        %dma_start3A_243 = tpu.memref_slice %arg10[%dma_start3A_241, %dma_start3A_242] : memref<10112x16xf32, #tpu.memory_space<vmem_shared>> -> memref<10112x16xf32, #tpu.memory_space<vmem_shared>>
        tpu.enqueue_indirect_dma source(%dma_start3A_237 : memref<128x16xf32, #tpu.memory_space<vmem>>) target(%dma_start3A_243 : memref<10112x16xf32, #tpu.memory_space<vmem_shared>>) offsets(%dma_start3A_240 : memref<128xi32, #tpu.memory_space<vmem>>) semaphore(%run_scoped3A_233 : memref<!tpu.dma_semaphore, #tpu.memory_space<semaphore_mem>>) {add = true}
        %dma_wait3A_244 = arith.constant 0 : i32
        %dma_wait3A_245 = arith.constant 0 : i32
        %dma_wait3A_246 = tpu.memref_slice %arg9[%run_scoped3A_219, %dma_wait3A_244, %dma_wait3A_245] : memref<4x128x16xf32, #tpu.memory_space<vmem>> -> memref<1x128x16xf32, #tpu.memory_space<vmem>>
        %dma_wait3A_247 = tpu.memref_squeeze %dma_wait3A_246 : memref<1x128x16xf32, #tpu.memory_space<vmem>> -> memref<128x16xf32, #tpu.memory_space<vmem>>
        %dma_wait3A_248 = arith.constant 0 : i32
        %dma_wait3A_249 = tpu.memref_slice %arg8[%add3A_207, %dma_wait3A_248] : memref<80x128xi32, #tpu.memory_space<vmem>> -> memref<1x128xi32, #tpu.memory_space<vmem>>
        %dma_wait3A_250 = tpu.memref_squeeze %dma_wait3A_249 : memref<1x128xi32, #tpu.memory_space<vmem>> -> memref<128xi32, #tpu.memory_space<vmem>>
        %dma_wait3A_251 = arith.constant 0 : i32
        %dma_wait3A_252 = arith.constant 0 : i32
        %dma_wait3A_253 = tpu.memref_slice %arg10[%dma_wait3A_251, %dma_wait3A_252] : memref<10112x16xf32, #tpu.memory_space<vmem_shared>> -> memref<10112x16xf32, #tpu.memory_space<vmem_shared>>
        tpu.wait_indirect_dma semaphore(%run_scoped3A_233 : memref<!tpu.dma_semaphore, #tpu.memory_space<semaphore_mem>>) src(%dma_wait3A_247 : memref<128x16xf32, #tpu.memory_space<vmem>>) dst(%dma_wait3A_253 : memref<10112x16xf32, #tpu.memory_space<vmem_shared>>)
        tpu.yield
      }) : () -> ()
      %add3A_220 = arith.constant 4 : i32
      %add3A_221 = arith.addi %add3A_207, %add3A_220 : i32
      %dma_start3A_222 = arith.constant 3 : i32
      %dma_start3A_223 = arith.constant 0 : i32
      %dma_start3A_224 = arith.constant 0 : i32
      %dma_start3A_225 = tpu.memref_slice %arg9[%dma_start3A_222, %dma_start3A_223, %dma_start3A_224] : memref<4x128x16xf32, #tpu.memory_space<vmem>> -> memref<1x128x16xf32, #tpu.memory_space<vmem>>
      %dma_start3A_226 = tpu.memref_squeeze %dma_start3A_225 : memref<1x128x16xf32, #tpu.memory_space<vmem>> -> memref<128x16xf32, #tpu.memory_space<vmem>>
      %dma_start3A_227 = arith.constant 0 : i32
      %dma_start3A_228 = tpu.memref_slice %arg7[%add3A_221, %dma_start3A_227] : memref<80x128xi32, #tpu.memory_space<vmem>> -> memref<1x128xi32, #tpu.memory_space<vmem>>
      %dma_start3A_229 = tpu.memref_squeeze %dma_start3A_228 : memref<1x128xi32, #tpu.memory_space<vmem>> -> memref<128xi32, #tpu.memory_space<vmem>>
      %dma_start3A_230 = arith.constant 0 : i32
      %dma_start3A_231 = arith.constant 0 : i32
      %dma_start3A_232 = tpu.memref_slice %arg2[%dma_start3A_230, %dma_start3A_231] : memref<10112x16xf32, #tpu.memory_space<hbm>> -> memref<10112x16xf32, #tpu.memory_space<hbm>>
      tpu.enqueue_indirect_dma source(%dma_start3A_232 : memref<10112x16xf32, #tpu.memory_space<hbm>>) target(%dma_start3A_226 : memref<128x16xf32, #tpu.memory_space<vmem>>) offsets(%dma_start3A_229 : memref<128xi32, #tpu.memory_space<vmem>>) semaphore(%arg14 : memref<!tpu.dma_semaphore, #tpu.memory_space<semaphore_mem>>)
    }
    %scan3A_56 = arith.constant 19 : i32
    %dma_wait3A = arith.constant 76 : i32
    %dma_wait3A_57 = arith.constant 0 : i32
    %dma_wait3A_58 = arith.constant 0 : i32
    %dma_wait3A_59 = arith.constant 0 : i32
    %dma_wait3A_60 = tpu.memref_slice %arg9[%dma_wait3A_57, %dma_wait3A_58, %dma_wait3A_59] : memref<4x128x16xf32, #tpu.memory_space<vmem>> -> memref<1x128x16xf32, #tpu.memory_space<vmem>>
    %dma_wait3A_61 = tpu.memref_squeeze %dma_wait3A_60 : memref<1x128x16xf32, #tpu.memory_space<vmem>> -> memref<128x16xf32, #tpu.memory_space<vmem>>
    %dma_wait3A_62 = arith.constant 0 : i32
    %dma_wait3A_63 = tpu.memref_slice %arg7[%dma_wait3A, %dma_wait3A_62] : memref<80x128xi32, #tpu.memory_space<vmem>> -> memref<1x128xi32, #tpu.memory_space<vmem>>
    %dma_wait3A_64 = tpu.memref_squeeze %dma_wait3A_63 : memref<1x128xi32, #tpu.memory_space<vmem>> -> memref<128xi32, #tpu.memory_space<vmem>>
    %dma_wait3A_65 = arith.constant 0 : i32
    %dma_wait3A_66 = arith.constant 0 : i32
    %dma_wait3A_67 = tpu.memref_slice %arg2[%dma_wait3A_65, %dma_wait3A_66] : memref<10112x16xf32, #tpu.memory_space<hbm>> -> memref<10112x16xf32, #tpu.memory_space<hbm>>
    tpu.wait_indirect_dma semaphore(%arg11 : memref<!tpu.dma_semaphore, #tpu.memory_space<semaphore_mem>>) src(%dma_wait3A_67 : memref<10112x16xf32, #tpu.memory_space<hbm>>) dst(%dma_wait3A_61 : memref<128x16xf32, #tpu.memory_space<vmem>>)
    %run_scoped3A = arith.constant 0 : i32
    %run_scoped3A_68 = arith.constant 76 : i32
    "tpu.region"() ({
      %run_scoped3A_116 = tpu.sem_alloc : memref<!tpu.dma_semaphore, #tpu.memory_space<semaphore_mem>>
      %dma_start3A_117 = arith.constant 0 : i32
      %dma_start3A_118 = arith.constant 0 : i32
      %dma_start3A_119 = tpu.memref_slice %arg9[%run_scoped3A, %dma_start3A_117, %dma_start3A_118] : memref<4x128x16xf32, #tpu.memory_space<vmem>> -> memref<1x128x16xf32, #tpu.memory_space<vmem>>
      %dma_start3A_120 = tpu.memref_squeeze %dma_start3A_119 : memref<1x128x16xf32, #tpu.memory_space<vmem>> -> memref<128x16xf32, #tpu.memory_space<vmem>>
      %dma_start3A_121 = arith.constant 0 : i32
      %dma_start3A_122 = tpu.memref_slice %arg8[%run_scoped3A_68, %dma_start3A_121] : memref<80x128xi32, #tpu.memory_space<vmem>> -> memref<1x128xi32, #tpu.memory_space<vmem>>
      %dma_start3A_123 = tpu.memref_squeeze %dma_start3A_122 : memref<1x128xi32, #tpu.memory_space<vmem>> -> memref<128xi32, #tpu.memory_space<vmem>>
      %dma_start3A_124 = arith.constant 0 : i32
      %dma_start3A_125 = arith.constant 0 : i32
      %dma_start3A_126 = tpu.memref_slice %arg10[%dma_start3A_124, %dma_start3A_125] : memref<10112x16xf32, #tpu.memory_space<vmem_shared>> -> memref<10112x16xf32, #tpu.memory_space<vmem_shared>>
      tpu.enqueue_indirect_dma source(%dma_start3A_120 : memref<128x16xf32, #tpu.memory_space<vmem>>) target(%dma_start3A_126 : memref<10112x16xf32, #tpu.memory_space<vmem_shared>>) offsets(%dma_start3A_123 : memref<128xi32, #tpu.memory_space<vmem>>) semaphore(%run_scoped3A_116 : memref<!tpu.dma_semaphore, #tpu.memory_space<semaphore_mem>>) {add = true}
      %dma_wait3A_127 = arith.constant 0 : i32
      %dma_wait3A_128 = arith.constant 0 : i32
      %dma_wait3A_129 = tpu.memref_slice %arg9[%run_scoped3A, %dma_wait3A_127, %dma_wait3A_128] : memref<4x128x16xf32, #tpu.memory_space<vmem>> -> memref<1x128x16xf32, #tpu.memory_space<vmem>>
      %dma_wait3A_130 = tpu.memref_squeeze %dma_wait3A_129 : memref<1x128x16xf32, #tpu.memory_space<vmem>> -> memref<128x16xf32, #tpu.memory_space<vmem>>
      %dma_wait3A_131 = arith.constant 0 : i32
      %dma_wait3A_132 = tpu.memref_slice %arg8[%run_scoped3A_68, %dma_wait3A_131] : memref<80x128xi32, #tpu.memory_space<vmem>> -> memref<1x128xi32, #tpu.memory_space<vmem>>
      %dma_wait3A_133 = tpu.memref_squeeze %dma_wait3A_132 : memref<1x128xi32, #tpu.memory_space<vmem>> -> memref<128xi32, #tpu.memory_space<vmem>>
      %dma_wait3A_134 = arith.constant 0 : i32
      %dma_wait3A_135 = arith.constant 0 : i32
      %dma_wait3A_136 = tpu.memref_slice %arg10[%dma_wait3A_134, %dma_wait3A_135] : memref<10112x16xf32, #tpu.memory_space<vmem_shared>> -> memref<10112x16xf32, #tpu.memory_space<vmem_shared>>
      tpu.wait_indirect_dma semaphore(%run_scoped3A_116 : memref<!tpu.dma_semaphore, #tpu.memory_space<semaphore_mem>>) src(%dma_wait3A_130 : memref<128x16xf32, #tpu.memory_space<vmem>>) dst(%dma_wait3A_136 : memref<10112x16xf32, #tpu.memory_space<vmem_shared>>)
      tpu.yield
    }) : () -> ()
    %dma_wait3A_69 = arith.constant 77 : i32
    %dma_wait3A_70 = arith.constant 1 : i32
    %dma_wait3A_71 = arith.constant 0 : i32
    %dma_wait3A_72 = arith.constant 0 : i32
    %dma_wait3A_73 = tpu.memref_slice %arg9[%dma_wait3A_70, %dma_wait3A_71, %dma_wait3A_72] : memref<4x128x16xf32, #tpu.memory_space<vmem>> -> memref<1x128x16xf32, #tpu.memory_space<vmem>>
    %dma_wait3A_74 = tpu.memref_squeeze %dma_wait3A_73 : memref<1x128x16xf32, #tpu.memory_space<vmem>> -> memref<128x16xf32, #tpu.memory_space<vmem>>
    %dma_wait3A_75 = arith.constant 0 : i32
    %dma_wait3A_76 = tpu.memref_slice %arg7[%dma_wait3A_69, %dma_wait3A_75] : memref<80x128xi32, #tpu.memory_space<vmem>> -> memref<1x128xi32, #tpu.memory_space<vmem>>
    %dma_wait3A_77 = tpu.memref_squeeze %dma_wait3A_76 : memref<1x128xi32, #tpu.memory_space<vmem>> -> memref<128xi32, #tpu.memory_space<vmem>>
    %dma_wait3A_78 = arith.constant 0 : i32
    %dma_wait3A_79 = arith.constant 0 : i32
    %dma_wait3A_80 = tpu.memref_slice %arg2[%dma_wait3A_78, %dma_wait3A_79] : memref<10112x16xf32, #tpu.memory_space<hbm>> -> memref<10112x16xf32, #tpu.memory_space<hbm>>
    tpu.wait_indirect_dma semaphore(%arg12 : memref<!tpu.dma_semaphore, #tpu.memory_space<semaphore_mem>>) src(%dma_wait3A_80 : memref<10112x16xf32, #tpu.memory_space<hbm>>) dst(%dma_wait3A_74 : memref<128x16xf32, #tpu.memory_space<vmem>>)
    %run_scoped3A_81 = arith.constant 1 : i32
    %run_scoped3A_82 = arith.constant 77 : i32
    "tpu.region"() ({
      %run_scoped3A_116 = tpu.sem_alloc : memref<!tpu.dma_semaphore, #tpu.memory_space<semaphore_mem>>
      %dma_start3A_117 = arith.constant 0 : i32
      %dma_start3A_118 = arith.constant 0 : i32
      %dma_start3A_119 = tpu.memref_slice %arg9[%run_scoped3A_81, %dma_start3A_117, %dma_start3A_118] : memref<4x128x16xf32, #tpu.memory_space<vmem>> -> memref<1x128x16xf32, #tpu.memory_space<vmem>>
      %dma_start3A_120 = tpu.memref_squeeze %dma_start3A_119 : memref<1x128x16xf32, #tpu.memory_space<vmem>> -> memref<128x16xf32, #tpu.memory_space<vmem>>
      %dma_start3A_121 = arith.constant 0 : i32
      %dma_start3A_122 = tpu.memref_slice %arg8[%run_scoped3A_82, %dma_start3A_121] : memref<80x128xi32, #tpu.memory_space<vmem>> -> memref<1x128xi32, #tpu.memory_space<vmem>>
      %dma_start3A_123 = tpu.memref_squeeze %dma_start3A_122 : memref<1x128xi32, #tpu.memory_space<vmem>> -> memref<128xi32, #tpu.memory_space<vmem>>
      %dma_start3A_124 = arith.constant 0 : i32
      %dma_start3A_125 = arith.constant 0 : i32
      %dma_start3A_126 = tpu.memref_slice %arg10[%dma_start3A_124, %dma_start3A_125] : memref<10112x16xf32, #tpu.memory_space<vmem_shared>> -> memref<10112x16xf32, #tpu.memory_space<vmem_shared>>
      tpu.enqueue_indirect_dma source(%dma_start3A_120 : memref<128x16xf32, #tpu.memory_space<vmem>>) target(%dma_start3A_126 : memref<10112x16xf32, #tpu.memory_space<vmem_shared>>) offsets(%dma_start3A_123 : memref<128xi32, #tpu.memory_space<vmem>>) semaphore(%run_scoped3A_116 : memref<!tpu.dma_semaphore, #tpu.memory_space<semaphore_mem>>) {add = true}
      %dma_wait3A_127 = arith.constant 0 : i32
      %dma_wait3A_128 = arith.constant 0 : i32
      %dma_wait3A_129 = tpu.memref_slice %arg9[%run_scoped3A_81, %dma_wait3A_127, %dma_wait3A_128] : memref<4x128x16xf32, #tpu.memory_space<vmem>> -> memref<1x128x16xf32, #tpu.memory_space<vmem>>
      %dma_wait3A_130 = tpu.memref_squeeze %dma_wait3A_129 : memref<1x128x16xf32, #tpu.memory_space<vmem>> -> memref<128x16xf32, #tpu.memory_space<vmem>>
      %dma_wait3A_131 = arith.constant 0 : i32
      %dma_wait3A_132 = tpu.memref_slice %arg8[%run_scoped3A_82, %dma_wait3A_131] : memref<80x128xi32, #tpu.memory_space<vmem>> -> memref<1x128xi32, #tpu.memory_space<vmem>>
      %dma_wait3A_133 = tpu.memref_squeeze %dma_wait3A_132 : memref<1x128xi32, #tpu.memory_space<vmem>> -> memref<128xi32, #tpu.memory_space<vmem>>
      %dma_wait3A_134 = arith.constant 0 : i32
      %dma_wait3A_135 = arith.constant 0 : i32
      %dma_wait3A_136 = tpu.memref_slice %arg10[%dma_wait3A_134, %dma_wait3A_135] : memref<10112x16xf32, #tpu.memory_space<vmem_shared>> -> memref<10112x16xf32, #tpu.memory_space<vmem_shared>>
      tpu.wait_indirect_dma semaphore(%run_scoped3A_116 : memref<!tpu.dma_semaphore, #tpu.memory_space<semaphore_mem>>) src(%dma_wait3A_130 : memref<128x16xf32, #tpu.memory_space<vmem>>) dst(%dma_wait3A_136 : memref<10112x16xf32, #tpu.memory_space<vmem_shared>>)
      tpu.yield
    }) : () -> ()
    %dma_wait3A_83 = arith.constant 78 : i32
    %dma_wait3A_84 = arith.constant 2 : i32
    %dma_wait3A_85 = arith.constant 0 : i32
    %dma_wait3A_86 = arith.constant 0 : i32
    %dma_wait3A_87 = tpu.memref_slice %arg9[%dma_wait3A_84, %dma_wait3A_85, %dma_wait3A_86] : memref<4x128x16xf32, #tpu.memory_space<vmem>> -> memref<1x128x16xf32, #tpu.memory_space<vmem>>
    %dma_wait3A_88 = tpu.memref_squeeze %dma_wait3A_87 : memref<1x128x16xf32, #tpu.memory_space<vmem>> -> memref<128x16xf32, #tpu.memory_space<vmem>>
    %dma_wait3A_89 = arith.constant 0 : i32
    %dma_wait3A_90 = tpu.memref_slice %arg7[%dma_wait3A_83, %dma_wait3A_89] : memref<80x128xi32, #tpu.memory_space<vmem>> -> memref<1x128xi32, #tpu.memory_space<vmem>>
    %dma_wait3A_91 = tpu.memref_squeeze %dma_wait3A_90 : memref<1x128xi32, #tpu.memory_space<vmem>> -> memref<128xi32, #tpu.memory_space<vmem>>
    %dma_wait3A_92 = arith.constant 0 : i32
    %dma_wait3A_93 = arith.constant 0 : i32
    %dma_wait3A_94 = tpu.memref_slice %arg2[%dma_wait3A_92, %dma_wait3A_93] : memref<10112x16xf32, #tpu.memory_space<hbm>> -> memref<10112x16xf32, #tpu.memory_space<hbm>>
    tpu.wait_indirect_dma semaphore(%arg13 : memref<!tpu.dma_semaphore, #tpu.memory_space<semaphore_mem>>) src(%dma_wait3A_94 : memref<10112x16xf32, #tpu.memory_space<hbm>>) dst(%dma_wait3A_88 : memref<128x16xf32, #tpu.memory_space<vmem>>)
    %run_scoped3A_95 = arith.constant 2 : i32
    %run_scoped3A_96 = arith.constant 78 : i32
    "tpu.region"() ({
      %run_scoped3A_116 = tpu.sem_alloc : memref<!tpu.dma_semaphore, #tpu.memory_space<semaphore_mem>>
      %dma_start3A_117 = arith.constant 0 : i32
      %dma_start3A_118 = arith.constant 0 : i32
      %dma_start3A_119 = tpu.memref_slice %arg9[%run_scoped3A_95, %dma_start3A_117, %dma_start3A_118] : memref<4x128x16xf32, #tpu.memory_space<vmem>> -> memref<1x128x16xf32, #tpu.memory_space<vmem>>
      %dma_start3A_120 = tpu.memref_squeeze %dma_start3A_119 : memref<1x128x16xf32, #tpu.memory_space<vmem>> -> memref<128x16xf32, #tpu.memory_space<vmem>>
      %dma_start3A_121 = arith.constant 0 : i32
      %dma_start3A_122 = tpu.memref_slice %arg8[%run_scoped3A_96, %dma_start3A_121] : memref<80x128xi32, #tpu.memory_space<vmem>> -> memref<1x128xi32, #tpu.memory_space<vmem>>
      %dma_start3A_123 = tpu.memref_squeeze %dma_start3A_122 : memref<1x128xi32, #tpu.memory_space<vmem>> -> memref<128xi32, #tpu.memory_space<vmem>>
      %dma_start3A_124 = arith.constant 0 : i32
      %dma_start3A_125 = arith.constant 0 : i32
      %dma_start3A_126 = tpu.memref_slice %arg10[%dma_start3A_124, %dma_start3A_125] : memref<10112x16xf32, #tpu.memory_space<vmem_shared>> -> memref<10112x16xf32, #tpu.memory_space<vmem_shared>>
      tpu.enqueue_indirect_dma source(%dma_start3A_120 : memref<128x16xf32, #tpu.memory_space<vmem>>) target(%dma_start3A_126 : memref<10112x16xf32, #tpu.memory_space<vmem_shared>>) offsets(%dma_start3A_123 : memref<128xi32, #tpu.memory_space<vmem>>) semaphore(%run_scoped3A_116 : memref<!tpu.dma_semaphore, #tpu.memory_space<semaphore_mem>>) {add = true}
      %dma_wait3A_127 = arith.constant 0 : i32
      %dma_wait3A_128 = arith.constant 0 : i32
      %dma_wait3A_129 = tpu.memref_slice %arg9[%run_scoped3A_95, %dma_wait3A_127, %dma_wait3A_128] : memref<4x128x16xf32, #tpu.memory_space<vmem>> -> memref<1x128x16xf32, #tpu.memory_space<vmem>>
      %dma_wait3A_130 = tpu.memref_squeeze %dma_wait3A_129 : memref<1x128x16xf32, #tpu.memory_space<vmem>> -> memref<128x16xf32, #tpu.memory_space<vmem>>
      %dma_wait3A_131 = arith.constant 0 : i32
      %dma_wait3A_132 = tpu.memref_slice %arg8[%run_scoped3A_96, %dma_wait3A_131] : memref<80x128xi32, #tpu.memory_space<vmem>> -> memref<1x128xi32, #tpu.memory_space<vmem>>
      %dma_wait3A_133 = tpu.memref_squeeze %dma_wait3A_132 : memref<1x128xi32, #tpu.memory_space<vmem>> -> memref<128xi32, #tpu.memory_space<vmem>>
      %dma_wait3A_134 = arith.constant 0 : i32
      %dma_wait3A_135 = arith.constant 0 : i32
      %dma_wait3A_136 = tpu.memref_slice %arg10[%dma_wait3A_134, %dma_wait3A_135] : memref<10112x16xf32, #tpu.memory_space<vmem_shared>> -> memref<10112x16xf32, #tpu.memory_space<vmem_shared>>
      tpu.wait_indirect_dma semaphore(%run_scoped3A_116 : memref<!tpu.dma_semaphore, #tpu.memory_space<semaphore_mem>>) src(%dma_wait3A_130 : memref<128x16xf32, #tpu.memory_space<vmem>>) dst(%dma_wait3A_136 : memref<10112x16xf32, #tpu.memory_space<vmem_shared>>)
      tpu.yield
    }) : () -> ()
    %dma_wait3A_97 = arith.constant 79 : i32
    %dma_wait3A_98 = arith.constant 3 : i32
    %dma_wait3A_99 = arith.constant 0 : i32
    %dma_wait3A_100 = arith.constant 0 : i32
    %dma_wait3A_101 = tpu.memref_slice %arg9[%dma_wait3A_98, %dma_wait3A_99, %dma_wait3A_100] : memref<4x128x16xf32, #tpu.memory_space<vmem>> -> memref<1x128x16xf32, #tpu.memory_space<vmem>>
    %dma_wait3A_102 = tpu.memref_squeeze %dma_wait3A_101 : memref<1x128x16xf32, #tpu.memory_space<vmem>> -> memref<128x16xf32, #tpu.memory_space<vmem>>
    %dma_wait3A_103 = arith.constant 0 : i32
    %dma_wait3A_104 = tpu.memref_slice %arg7[%dma_wait3A_97, %dma_wait3A_103] : memref<80x128xi32, #tpu.memory_space<vmem>> -> memref<1x128xi32, #tpu.memory_space<vmem>>
    %dma_wait3A_105 = tpu.memref_squeeze %dma_wait3A_104 : memref<1x128xi32, #tpu.memory_space<vmem>> -> memref<128xi32, #tpu.memory_space<vmem>>
    %dma_wait3A_106 = arith.constant 0 : i32
    %dma_wait3A_107 = arith.constant 0 : i32
    %dma_wait3A_108 = tpu.memref_slice %arg2[%dma_wait3A_106, %dma_wait3A_107] : memref<10112x16xf32, #tpu.memory_space<hbm>> -> memref<10112x16xf32, #tpu.memory_space<hbm>>
    tpu.wait_indirect_dma semaphore(%arg14 : memref<!tpu.dma_semaphore, #tpu.memory_space<semaphore_mem>>) src(%dma_wait3A_108 : memref<10112x16xf32, #tpu.memory_space<hbm>>) dst(%dma_wait3A_102 : memref<128x16xf32, #tpu.memory_space<vmem>>)
    %run_scoped3A_109 = arith.constant 3 : i32
    %run_scoped3A_110 = arith.constant 79 : i32
    "tpu.region"() ({
      %run_scoped3A_116 = tpu.sem_alloc : memref<!tpu.dma_semaphore, #tpu.memory_space<semaphore_mem>>
      %dma_start3A_117 = arith.constant 0 : i32
      %dma_start3A_118 = arith.constant 0 : i32
      %dma_start3A_119 = tpu.memref_slice %arg9[%run_scoped3A_109, %dma_start3A_117, %dma_start3A_118] : memref<4x128x16xf32, #tpu.memory_space<vmem>> -> memref<1x128x16xf32, #tpu.memory_space<vmem>>
      %dma_start3A_120 = tpu.memref_squeeze %dma_start3A_119 : memref<1x128x16xf32, #tpu.memory_space<vmem>> -> memref<128x16xf32, #tpu.memory_space<vmem>>
      %dma_start3A_121 = arith.constant 0 : i32
      %dma_start3A_122 = tpu.memref_slice %arg8[%run_scoped3A_110, %dma_start3A_121] : memref<80x128xi32, #tpu.memory_space<vmem>> -> memref<1x128xi32, #tpu.memory_space<vmem>>
      %dma_start3A_123 = tpu.memref_squeeze %dma_start3A_122 : memref<1x128xi32, #tpu.memory_space<vmem>> -> memref<128xi32, #tpu.memory_space<vmem>>
      %dma_start3A_124 = arith.constant 0 : i32
      %dma_start3A_125 = arith.constant 0 : i32
      %dma_start3A_126 = tpu.memref_slice %arg10[%dma_start3A_124, %dma_start3A_125] : memref<10112x16xf32, #tpu.memory_space<vmem_shared>> -> memref<10112x16xf32, #tpu.memory_space<vmem_shared>>
      tpu.enqueue_indirect_dma source(%dma_start3A_120 : memref<128x16xf32, #tpu.memory_space<vmem>>) target(%dma_start3A_126 : memref<10112x16xf32, #tpu.memory_space<vmem_shared>>) offsets(%dma_start3A_123 : memref<128xi32, #tpu.memory_space<vmem>>) semaphore(%run_scoped3A_116 : memref<!tpu.dma_semaphore, #tpu.memory_space<semaphore_mem>>) {add = true}
      %dma_wait3A_127 = arith.constant 0 : i32
      %dma_wait3A_128 = arith.constant 0 : i32
      %dma_wait3A_129 = tpu.memref_slice %arg9[%run_scoped3A_109, %dma_wait3A_127, %dma_wait3A_128] : memref<4x128x16xf32, #tpu.memory_space<vmem>> -> memref<1x128x16xf32, #tpu.memory_space<vmem>>
      %dma_wait3A_130 = tpu.memref_squeeze %dma_wait3A_129 : memref<1x128x16xf32, #tpu.memory_space<vmem>> -> memref<128x16xf32, #tpu.memory_space<vmem>>
      %dma_wait3A_131 = arith.constant 0 : i32
      %dma_wait3A_132 = tpu.memref_slice %arg8[%run_scoped3A_110, %dma_wait3A_131] : memref<80x128xi32, #tpu.memory_space<vmem>> -> memref<1x128xi32, #tpu.memory_space<vmem>>
      %dma_wait3A_133 = tpu.memref_squeeze %dma_wait3A_132 : memref<1x128xi32, #tpu.memory_space<vmem>> -> memref<128xi32, #tpu.memory_space<vmem>>
      %dma_wait3A_134 = arith.constant 0 : i32
      %dma_wait3A_135 = arith.constant 0 : i32
      %dma_wait3A_136 = tpu.memref_slice %arg10[%dma_wait3A_134, %dma_wait3A_135] : memref<10112x16xf32, #tpu.memory_space<vmem_shared>> -> memref<10112x16xf32, #tpu.memory_space<vmem_shared>>
      tpu.wait_indirect_dma semaphore(%run_scoped3A_116 : memref<!tpu.dma_semaphore, #tpu.memory_space<semaphore_mem>>) src(%dma_wait3A_130 : memref<128x16xf32, #tpu.memory_space<vmem>>) dst(%dma_wait3A_136 : memref<10112x16xf32, #tpu.memory_space<vmem_shared>>)
      tpu.yield
    }) : () -> ()
    %barrier3A_111 = arith.constant 0 : index
    tpu.barrier barrier_id(%barrier3A_111)
    %mul3A_112 = arith.constant 632 : i32
    %mul3A_113 = arith.muli %arg1, %mul3A_112 : i32
    %mul3A_114 = arith.constant 632 : i32
    %mul3A_115 = arith.muli %arg1, %mul3A_114 : i32
    "tpu.region"() ({
      %run_scoped3A_116 = tpu.sem_alloc : memref<!tpu.dma_semaphore, #tpu.memory_space<semaphore_mem>>
      %dma_start3A_117 = arith.constant 0 : i32
      %dma_start3A_118 = tpu.memref_slice %arg6[%arg0, %mul3A_115, %dma_start3A_117] : memref<2x10112x16xf32, #tpu.memory_space<hbm>> -> memref<1x632x16xf32, #tpu.memory_space<hbm>>
      %dma_start3A_119 = tpu.memref_squeeze %dma_start3A_118 : memref<1x632x16xf32, #tpu.memory_space<hbm>> -> memref<632x16xf32, #tpu.memory_space<hbm>>
      %dma_start3A_120 = arith.constant 0 : i32
      %dma_start3A_121 = tpu.memref_slice %arg10[%mul3A_113, %dma_start3A_120] : memref<10112x16xf32, #tpu.memory_space<vmem_shared>> -> memref<632x16xf32, #tpu.memory_space<vmem_shared>>
      tpu.enqueue_dma source(%dma_start3A_121 : memref<632x16xf32, #tpu.memory_space<vmem_shared>>) target(%dma_start3A_119 : memref<632x16xf32, #tpu.memory_space<hbm>>) target_semaphore(%run_scoped3A_116 : memref<!tpu.dma_semaphore, #tpu.memory_space<semaphore_mem>>)
      %dma_wait3A_122 = arith.constant 0 : i32
      %dma_wait3A_123 = tpu.memref_slice %arg6[%arg0, %mul3A_115, %dma_wait3A_122] : memref<2x10112x16xf32, #tpu.memory_space<hbm>> -> memref<1x632x16xf32, #tpu.memory_space<hbm>>
      %dma_wait3A_124 = tpu.memref_squeeze %dma_wait3A_123 : memref<1x632x16xf32, #tpu.memory_space<hbm>> -> memref<632x16xf32, #tpu.memory_space<hbm>>
      %dma_wait3A_125 = arith.constant 0 : i32
      %dma_wait3A_126 = tpu.memref_slice %arg10[%mul3A_113, %dma_wait3A_125] : memref<10112x16xf32, #tpu.memory_space<vmem_shared>> -> memref<632x16xf32, #tpu.memory_space<vmem_shared>>
      tpu.wait_dma2 semaphore(%run_scoped3A_116 : memref<!tpu.dma_semaphore, #tpu.memory_space<semaphore_mem>>) src(%dma_wait3A_126 : memref<632x16xf32, #tpu.memory_space<vmem_shared>>) dst(%dma_wait3A_124 : memref<632x16xf32, #tpu.memory_space<hbm>>)
      tpu.yield
    }) : () -> ()
    return
  }
}

module attributes {stable_mosaic.version = 14 : i64} {
  func.func @body(%arg0: memref<10112x128xf32, #tpu.memory_space<vmem>>, %arg1: memref<128x128xf32, #tpu.memory_space<vmem>>, %arg2: memref<10112x128xf32, #tpu.memory_space<vmem>>) attributes {dimension_semantics = [], scalar_prefetch = 0 : i64, scratch_operands = 0 : i64, tpu.core_type = #tpu.core_type<tc>} {
    %get3A = arith.constant 0 : index
    %get3A_0 = arith.constant 0 : index
    %get3A_1 = vector.load %arg0[%get3A, %get3A_0] : memref<10112x128xf32, #tpu.memory_space<vmem>>, vector<10112x128xf32>
    %get3A_2 = arith.constant 0 : index
    %get3A_3 = arith.constant 0 : index
    %get3A_4 = vector.load %arg1[%get3A_2, %get3A_3] : memref<128x128xf32, #tpu.memory_space<vmem>>, vector<128x128xf32>
    %dot_general3A = arith.constant dense<0.000000e+00> : vector<10112x128xf32>
    %dot_general3A_5 = tpu.matmul %get3A_1, %get3A_4, %dot_general3A {dimension_numbers = #tpu.dot_dimension_numbers<[1], [0], [0], [1], [0, 0, 1, 1], [], []>, precision = #tpu.contract_precision<fp32>, transpose_lhs_hint = false} : vector<10112x128xf32>, vector<128x128xf32>, vector<10112x128xf32> -> vector<10112x128xf32>
    %swap3A = arith.constant 0 : index
    %swap3A_6 = arith.constant 0 : index
    %swap3A_7 = vector.load %arg2[%swap3A, %swap3A_6] : memref<10112x128xf32, #tpu.memory_space<vmem>>, vector<10112x128xf32>
    tpu.vector_store %arg2[%swap3A, %swap3A_6], %dot_general3A_5 {strides = array<i32>} : memref<10112x128xf32, #tpu.memory_space<vmem>>, vector<10112x128xf32>,
    return
  }
}

module attributes {stable_mosaic.version = 14 : i64} {
  func.func @body(%arg0: memref<10112x128xf32, #tpu.memory_space<vmem>>, %arg1: memref<2x10112x16xf32, #tpu.memory_space<vmem>>, %arg2: memref<10112x128xbf16, #tpu.memory_space<vmem>>, %arg3: memref<10112x16xf32, #tpu.memory_space<vmem>>) attributes {dimension_semantics = [], scalar_prefetch = 0 : i64, scratch_operands = 0 : i64, tpu.core_type = #tpu.core_type<tc>} {
    %get3A = arith.constant 0 : index
    %get3A_0 = arith.constant 0 : index
    %get3A_1 = arith.constant 0 : index
    %get3A_2 = vector.load %arg1[%get3A, %get3A_0, %get3A_1] : memref<2x10112x16xf32, #tpu.memory_space<vmem>>, vector<1x10112x16xf32>
    %get3A_3 = vector.shape_cast %get3A_2 : vector<1x10112x16xf32> to vector<10112x16xf32>
    %get3A_4 = arith.constant 1 : index
    %get3A_5 = arith.constant 0 : index
    %get3A_6 = arith.constant 0 : index
    %get3A_7 = vector.load %arg1[%get3A_4, %get3A_5, %get3A_6] : memref<2x10112x16xf32, #tpu.memory_space<vmem>>, vector<1x10112x16xf32>
    %get3A_8 = vector.shape_cast %get3A_7 : vector<1x10112x16xf32> to vector<10112x16xf32>
    %add3A = arith.addf %get3A_3, %get3A_8 : vector<10112x16xf32>
    %add3A_9 = arith.constant 1.000000e+00 : f32
    %add3A_10 = vector.broadcast %add3A_9 : f32 to vector<10112x16xf32>
    %add3A_11 = arith.addf %add3A, %add3A_10 : vector<10112x16xf32>
    %rsqrt3A = math.rsqrt %add3A_11 : vector<10112x16xf32>
    %swap3A = arith.constant 0 : index
    %swap3A_12 = arith.constant 0 : index
    %swap3A_13 = vector.load %arg3[%swap3A, %swap3A_12] : memref<10112x16xf32, #tpu.memory_space<vmem>>, vector<10112x16xf32>
    tpu.vector_store %arg3[%swap3A, %swap3A_12], %rsqrt3A {strides = array<i32>} : memref<10112x16xf32, #tpu.memory_space<vmem>>, vector<10112x16xf32>,
    %get3A_14 = arith.constant 0 : index
    %get3A_15 = arith.constant 0 : index
    %get3A_16 = vector.load %arg0[%get3A_14, %get3A_15] : memref<10112x128xf32, #tpu.memory_space<vmem>>, vector<10112x128xf32>
    %slice3A = vector.extract_strided_slice %rsqrt3A {offsets = [0, 0], sizes = [10112, 1], strides = [1, 1]} : vector<10112x16xf32> to vector<10112x1xf32>
    %mul3A = vector.broadcast %slice3A : vector<10112x1xf32> to vector<10112x128xf32>
    %mul3A_17 = arith.mulf %get3A_16, %mul3A : vector<10112x128xf32>
    %convert_element_type3A = arith.truncf %mul3A_17 : vector<10112x128xf32> to vector<10112x128xbf16>
    %swap3A_18 = arith.constant 0 : index
    %swap3A_19 = arith.constant 0 : index
    %swap3A_20 = vector.load %arg2[%swap3A_18, %swap3A_19] : memref<10112x128xbf16, #tpu.memory_space<vmem>>, vector<10112x128xbf16>
    tpu.vector_store %arg2[%swap3A_18, %swap3A_19], %convert_element_type3A {strides = array<i32>} : memref<10112x128xbf16, #tpu.memory_space<vmem>>, vector<10112x128xbf16>,
    return
  }
}

module attributes {stable_mosaic.version = 14 : i64} {
  func.func @body(%arg0: memref<2x10112x128xbf16, #tpu.memory_space<vmem>>, %arg1: memref<10112x128xbf16, #tpu.memory_space<vmem>>, %arg2: memref<10112x16xf32, #tpu.memory_space<vmem>>, %arg3: memref<128xf32, #tpu.memory_space<vmem>>, %arg4: memref<128x16xf32, #tpu.memory_space<vmem>>, %arg5: memref<10112x16xf32, #tpu.memory_space<vmem>>) attributes {dimension_semantics = [], scalar_prefetch = 0 : i64, scratch_operands = 0 : i64, tpu.core_type = #tpu.core_type<tc>} {
    %get3A = arith.constant 0 : index
    %get3A_0 = arith.constant 0 : index
    %get3A_1 = vector.load %arg2[%get3A, %get3A_0] : memref<10112x16xf32, #tpu.memory_space<vmem>>, vector<10112x1xf32>
    %get3A_2 = arith.constant 0 : index
    %get3A_3 = arith.constant 0 : index
    %get3A_4 = arith.constant 0 : index
    %get3A_5 = vector.load %arg0[%get3A_2, %get3A_3, %get3A_4] : memref<2x10112x128xbf16, #tpu.memory_space<vmem>>, vector<1x10112x128xbf16>
    %get3A_6 = vector.shape_cast %get3A_5 : vector<1x10112x128xbf16> to vector<10112x128xbf16>
    %convert_element_type3A = arith.extf %get3A_6 : vector<10112x128xbf16> to vector<10112x128xf32>
    %get3A_7 = arith.constant 1 : index
    %get3A_8 = arith.constant 0 : index
    %get3A_9 = arith.constant 0 : index
    %get3A_10 = vector.load %arg0[%get3A_7, %get3A_8, %get3A_9] : memref<2x10112x128xbf16, #tpu.memory_space<vmem>>, vector<1x10112x128xbf16>
    %get3A_11 = vector.shape_cast %get3A_10 : vector<1x10112x128xbf16> to vector<10112x128xbf16>
    %convert_element_type3A_12 = arith.extf %get3A_11 : vector<10112x128xbf16> to vector<10112x128xf32>
    %add3A = arith.addf %convert_element_type3A, %convert_element_type3A_12 : vector<10112x128xf32>
    %get3A_13 = arith.constant 0 : index
    %get3A_14 = arith.constant 0 : index
    %get3A_15 = vector.load %arg1[%get3A_13, %get3A_14] : memref<10112x128xbf16, #tpu.memory_space<vmem>>, vector<10112x128xbf16>
    %convert_element_type3A_16 = arith.extf %get3A_15 : vector<10112x128xbf16> to vector<10112x128xf32>
    %add3A_17 = arith.addf %add3A, %convert_element_type3A_16 : vector<10112x128xf32>
    %mul3A = vector.broadcast %get3A_1 : vector<10112x1xf32> to vector<10112x128xf32>
    %mul3A_18 = arith.mulf %add3A_17, %mul3A : vector<10112x128xf32>
    %get3A_19 = arith.constant 0 : index
    %get3A_20 = vector.load %arg3[%get3A_19] : memref<128xf32, #tpu.memory_space<vmem>>, vector<128xf32>
    %broadcast_in_dim3A = vector.shape_cast %get3A_20 : vector<128xf32> to vector<1x128xf32>
    %add3A_21 = vector.broadcast %broadcast_in_dim3A : vector<1x128xf32> to vector<10112x128xf32>
    %add3A_22 = arith.addf %mul3A_18, %add3A_21 : vector<10112x128xf32>
    %max3A = arith.constant 0.000000e+00 : f32
    %max3A_23 = vector.broadcast %max3A : f32 to vector<10112x128xf32>
    %max3A_24 = arith.maximumf %add3A_22, %max3A_23 : vector<10112x128xf32>
    %get3A_25 = arith.constant 0 : index
    %get3A_26 = arith.constant 0 : index
    %get3A_27 = vector.load %arg4[%get3A_25, %get3A_26] : memref<128x16xf32, #tpu.memory_space<vmem>>, vector<128x16xf32>
    %dot_general3A = arith.constant dense<0.000000e+00> : vector<10112x16xf32>
    %dot_general3A_28 = tpu.matmul %max3A_24, %get3A_27, %dot_general3A {dimension_numbers = #tpu.dot_dimension_numbers<[1], [0], [0], [1], [0, 0, 1, 1], [], []>, precision = #tpu.contract_precision<fp32>, transpose_lhs_hint = false} : vector<10112x128xf32>, vector<128x16xf32>, vector<10112x16xf32> -> vector<10112x16xf32>
    %mul3A_29 = vector.broadcast %get3A_1 : vector<10112x1xf32> to vector<10112x16xf32>
    %mul3A_30 = arith.mulf %dot_general3A_28, %mul3A_29 : vector<10112x16xf32>
    %swap3A = arith.constant 0 : index
    %swap3A_31 = arith.constant 0 : index
    %swap3A_32 = vector.load %arg5[%swap3A, %swap3A_31] : memref<10112x16xf32, #tpu.memory_space<vmem>>, vector<10112x16xf32>
    tpu.vector_store %arg5[%swap3A, %swap3A_31], %mul3A_30 {strides = array<i32>} : memref<10112x16xf32, #tpu.memory_space<vmem>>, vector<10112x16xf32>,
    return
  }
}

module attributes {stable_mosaic.version = 14 : i64} {
  func.func @body(%arg0: memref<2x10112x16xf32, #tpu.memory_space<vmem>>, %arg1: memref<10112x16xf32, #tpu.memory_space<vmem>>, %arg2: memref<10112x16xf32, #tpu.memory_space<vmem>>, %arg3: memref<16xf32, #tpu.memory_space<vmem>>, %arg4: memref<10112x16xf32, #tpu.memory_space<vmem>>) attributes {dimension_semantics = [], scalar_prefetch = 0 : i64, scratch_operands = 0 : i64, tpu.core_type = #tpu.core_type<tc>} {
    %get3A = arith.constant 0 : index
    %get3A_0 = arith.constant 0 : index
    %get3A_1 = arith.constant 0 : index
    %get3A_2 = vector.load %arg0[%get3A, %get3A_0, %get3A_1] : memref<2x10112x16xf32, #tpu.memory_space<vmem>>, vector<1x10112x16xf32>
    %get3A_3 = vector.shape_cast %get3A_2 : vector<1x10112x16xf32> to vector<10112x16xf32>
    %get3A_4 = arith.constant 1 : index
    %get3A_5 = arith.constant 0 : index
    %get3A_6 = arith.constant 0 : index
    %get3A_7 = vector.load %arg0[%get3A_4, %get3A_5, %get3A_6] : memref<2x10112x16xf32, #tpu.memory_space<vmem>>, vector<1x10112x16xf32>
    %get3A_8 = vector.shape_cast %get3A_7 : vector<1x10112x16xf32> to vector<10112x16xf32>
    %add3A = arith.addf %get3A_3, %get3A_8 : vector<10112x16xf32>
    %get3A_9 = arith.constant 0 : index
    %get3A_10 = arith.constant 0 : index
    %get3A_11 = vector.load %arg1[%get3A_9, %get3A_10] : memref<10112x16xf32, #tpu.memory_space<vmem>>, vector<10112x16xf32>
    %add3A_12 = arith.addf %add3A, %get3A_11 : vector<10112x16xf32>
    %get3A_13 = arith.constant 0 : index
    %get3A_14 = arith.constant 0 : index
    %get3A_15 = vector.load %arg2[%get3A_13, %get3A_14] : memref<10112x16xf32, #tpu.memory_space<vmem>>, vector<10112x1xf32>
    %mul3A = vector.broadcast %get3A_15 : vector<10112x1xf32> to vector<10112x16xf32>
    %mul3A_16 = arith.mulf %add3A_12, %mul3A : vector<10112x16xf32>
    %get3A_17 = arith.constant 0 : index
    %get3A_18 = vector.load %arg3[%get3A_17] : memref<16xf32, #tpu.memory_space<vmem>>, vector<16xf32>
    %broadcast_in_dim3A = vector.shape_cast %get3A_18 : vector<16xf32> to vector<1x16xf32>
    %add3A_19 = vector.broadcast %broadcast_in_dim3A : vector<1x16xf32> to vector<10112x16xf32>
    %add3A_20 = arith.addf %mul3A_16, %add3A_19 : vector<10112x16xf32>
    %swap3A = arith.constant 0 : index
    %swap3A_21 = arith.constant 0 : index
    %swap3A_22 = vector.load %arg4[%swap3A, %swap3A_21] : memref<10112x16xf32, #tpu.memory_space<vmem>>, vector<10112x16xf32>
    tpu.vector_store %arg4[%swap3A, %swap3A_21], %add3A_20 {strides = array<i32>} : memref<10112x16xf32, #tpu.memory_space<vmem>>, vector<10112x16xf32>,
    return
  }
}

</mosaic_0001>

<sc_bundles>
// kernel: kernel.12.cloned.1.call-start
scs
__scs_entry_jumppad:
0x0: {  	(pc) =	sbr.rel $0x88, $3  }
0x1: {  	(tag) =	ssettag $0x0;
	lr =	simm.s32 $0x1  }
0x2: {  	[smem:$0x3F9B] =	sst lr;
	_ =	strace $0xD0000000  }
0x3: {  	_ = 	snop  }
0x4: {  	_ = 	snop  }
0x5: {  	_ = 	snop  }
0x6: {  	_ = 	snop  }
0x7: {  	_ = 	snop  }
__scs_overlays_trampoline_lowered:
0x8: {  	[smem:$0x3FAA] =	sst s0  }
0x9: {  	[smem:$0x3FAB] =	sst s1  }
0xa: {  	[smem:$0x3FAC] =	sst s2  }
0xb: {  	[smem:$0x3FAD] =	sst s3  }
0xc: {  	[smem:$0x3FAE] =	sst s4  }
0xd: {  	[smem:$0x3FAF] =	sst s5  }
0xe: {  	[smem:$0x3FB0] =	sst s6  }
0xf: {  	[smem:$0x3FB1] =	sst s7  }
0x10: {  	[smem:$0x3FB2] =	sst s8  }
0x11: {  	[smem:$0x3FB3] =	sst s9;
	s0 =	simm.s32 @!p0 $0x0  }
0x12: {  	s1 =	sld [smem:$0x3F99];
	s0 =	simm.s32 @p0 $0x1  }
0x13: {  	[smem:$0x3FB4] =	sst s0;
	s0 =	simm.s32 @!p1 $0x0  }
0x14: {  	s2 =	sld [smem:$0x3F98];
	s0 =	simm.s32 @p1 $0x1  }
0x15: {  	[smem:$0x3FB5] =	sst s0;
	s0 =	simm.s32 @!p2 $0x0  }
0x16: {  	s3 =	sld [smem:$0x3FDB];
	s0 =	simm.s32 @p2 $0x1  }
0x17: {  	s4 =	simm.s32 $0x1BF5;
	[smem:$0x3FB7] =	sst s0  }
0x18: {  	s0 =	sld [smem:$0x3F9A];
	_ =	swait.ge [sflag:s4], $0x0  }
0x19: {  	s7 =	sld [smem:$0x3F9B]  }
0x1a: {  	s8 =	sadd.s32 $0xFFFFE003, lr  }
0x1b: {  	s9 =	sadd.s32 $0xFFFFFEF7, lr;
	s5 =	simm.s32 $0xFFFFFFFF;
	p2 =	slt.u32 s8, $0xFFFFF086  }
0x1c: {  	p1 =	slt.u32 s9, $0xF7A;
	s5 =	simm.s32 @!p2 $0x0  }
0x1d: {  	s5 =	simm.s32 @p1 $0x1;
	p0 =	seq.s32 s7, s2  }
0x1e: {  	s7 =	smul.u32 @!p0 $0xF7A, s2;
	p2 =	seq.s32 @!p0 s5, $0x0  }
0x1f: {  	s9 =	smul.u32 $0xF7A, s1;
	s8 =	simm.s32 @!p0 $0x1BF5;
	p2 =	por !p2, p0  }
0x20: {  	[sflag:s8] =	ssyncset.s32 @!p0 $0xFFFFF086;
	s6 =	sadd.s32 @!p0 s3, s7;
	s7 =	simm.s32 @!p0 $0x108  }
0x21: {  	s3 =	sadd.s32 s3, s9;
	s6 =	sadd.s32 @!p0 $0x88, s6;
	s7 =	simm.s32 @p2 $0x1082  }
0x22: {  	[simem:s7], [sflag:s8] =	dma.local @!p0 [hbm:s6], $0xF7A  }
0x23: {  	s9 =	sor.u32 $0xD0000000, s2;
	s6 =	simm.s32 $0x108;
	_ =	swait.ge @!p0 [sflag:s8], $0x0  }
0x24: {  	s3 =	sadd.s32 $0x88, s3;
	s6 =	simm.s32 @!p1 $0x1082;
	[sflag:s4] =	ssyncset.s32 $0xFFFFF086  }
0x25: {  	[simem:s6], [sflag:s4] =	dma.local [hbm:s3], $0xF7A  }
0x26: {  	[smem:$0x3F9B] =	sst s1;
	(tag) =	ssettag s2;
	_ =	strace s9  }
0x27: {  	s1 =	sld [smem:$0x3FAB]  }
0x28: {  	s2 =	sld [smem:$0x3FAC]  }
0x29: {  	s4 =	sld [smem:$0x3FAE]  }
0x2a: {  	p0 =	seq.s32 s5, $0x0;
	s5 =	sld [smem:$0x3FAF]  }
0x2b: {  	s6 =	sld [smem:$0x3FB0]  }
0x2c: {  	s7 =	sld [smem:$0x3FB1]  }
0x2d: {  	s3 =	simm.s32 $0x108;
	s8 =	sld [smem:$0x3FB2]  }
0x2e: {  	s3 =	simm.s32 @!p0 $0x1082;
	s9 =	sld [smem:$0x3FB3]  }
0x2f: {  	lr =	sadd.s32 s0, s3;
	s0 =	sld [smem:$0x3FAA]  }
0x30: {  	s3 =	sld [smem:$0x3FAD]  }
0x31: {  	[smem:$0x3FB6] =	sst s10  }
0x32: {  	s10 =	sld [smem:$0x3FB4];
	_ =	sdelay $0x3  }
0x33: {  	p0 =	seq.s32 s10, $0x1;
	s10 =	sld [smem:$0x3FB6];
	_ =	sdelay $0x3  }
0x34: {  	[smem:$0x3FB6] =	sst s10  }
0x35: {  	s10 =	sld [smem:$0x3FB5];
	_ =	sdelay $0x3  }
0x36: {  	p1 =	seq.s32 s10, $0x1;
	s10 =	sld [smem:$0x3FB6];
	_ =	sdelay $0x3  }
0x37: {  	[smem:$0x3FB6] =	sst s10  }
0x38: {  	s10 =	sld [smem:$0x3FB7]  }
0x39: {  	_ = 	snop;
	(pc) =	sbr.ind lr, $3  }
0x3a: {  	_ = 	snop  }
0x3b: {  	_ = 	snop  }
0x3c: {  	p2 =	seq.s32 s10, $0x1;
	s10 =	sld [smem:$0x3FB6]  }
0x3d: {  	_ =	shalt  }
0x3e: {  	_ =	shalt  }
0x3f: {  	_ =	shalt  }
0x40: {  	_ =	shalt  }
0x41: {  	_ =	shalt  }
0x42: {  	_ =	shalt  }
0x43: {  	_ =	shalt  }
0x44: {  	_ =	shalt  }
0x45: {  	_ =	shalt  }
0x46: {  	_ =	shalt  }
0x47: {  	_ =	shalt  }
0x48: {  	_ =	shalt  }
0x49: {  	_ =	shalt  }
0x4a: {  	_ =	shalt  }
0x4b: {  	_ =	shalt  }
0x4c: {  	_ =	shalt  }
0x4d: {  	_ =	shalt  }
0x4e: {  	_ =	shalt  }
0x4f: {  	_ =	shalt  }
0x50: {  	_ =	shalt  }
0x51: {  	_ =	shalt  }
0x52: {  	_ =	shalt  }
0x53: {  	_ =	shalt  }
0x54: {  	_ =	shalt  }
0x55: {  	_ =	shalt  }
0x56: {  	_ =	shalt  }
0x57: {  	_ =	shalt  }
0x58: {  	_ =	shalt  }
0x59: {  	_ =	shalt  }
0x5a: {  	_ =	shalt  }
0x5b: {  	_ =	shalt  }
0x5c: {  	_ =	shalt  }
0x5d: {  	_ =	shalt  }
0x5e: {  	_ =	shalt  }
0x5f: {  	_ =	shalt  }
0x60: {  	_ =	shalt  }
0x61: {  	_ =	shalt  }
0x62: {  	_ =	shalt  }
0x63: {  	_ =	shalt  }
0x64: {  	_ =	shalt  }
0x65: {  	_ =	shalt  }
0x66: {  	_ =	shalt  }
0x67: {  	_ =	shalt  }
0x68: {  	_ =	shalt  }
0x69: {  	_ =	shalt  }
0x6a: {  	_ =	shalt  }
0x6b: {  	_ =	shalt  }
0x6c: {  	_ =	shalt  }
0x6d: {  	_ =	shalt  }
0x6e: {  	_ =	shalt  }
0x6f: {  	_ =	shalt  }
0x70: {  	_ =	shalt  }
0x71: {  	_ =	shalt  }
0x72: {  	_ =	shalt  }
0x73: {  	_ =	shalt  }
0x74: {  	_ =	shalt  }
0x75: {  	_ =	shalt  }
0x76: {  	_ =	shalt  }
0x77: {  	_ =	shalt  }
0x78: {  	_ =	shalt  }
0x79: {  	_ =	shalt  }
0x7a: {  	_ =	shalt  }
0x7b: {  	_ =	shalt  }
0x7c: {  	_ =	shalt  }
0x7d: {  	_ =	shalt  }
0x7e: {  	_ =	shalt  }
0x7f: {  	_ =	shalt  }
0x80: {  	_ =	shalt  }
0x81: {  	_ =	shalt  }
0x82: {  	_ =	shalt  }
0x83: {  	_ =	shalt  }
0x84: {  	_ =	shalt  }
0x85: {  	_ =	shalt  }
0x86: {  	_ =	shalt  }
0x87: {  	_ =	shalt  }
.Lfunc_end0:
.L_simem_size_0:
called_computation.1_lowered:
.L_overlay_start_0:
0x88: {  	s2 =	sld [smem:$0x3FD9]  }
0x89: {  	s3 =	sld [smem:$0x3FFE];
	_ =	sdelay $0x1  }
0x8a: {  	s1 =	srdreg.scid  }
0x8b: {  	s0 =	sand.u32 $0x1, s1  }
0x8c: {  	s16 =	sshll.u32 s0, $0xA;
	s2 =	sadd.s32 s3, s2  }
0x8d: {  	s2 =	sadd.s32 s2, s16  }
0x8e: {  	[smem:$0x3FC2] =	sst s2  }
0x8f: {  	_ = 	snop  }
0x90: {  	(tm) =	ssettm $0x1  }
0x91: {  	s17 =	sld [smem:$0x3FFB];
	_ =	sdelay $0x3  }
0x92: {  	_ =	strace s17  }
0x93: {  	s2 =	sld [smem:$0x3FFC];
	_ =	sdelay $0x3  }
0x94: {  	_ =	strace s2  }
0x95: {  	s2 =	sld [smem:$0x3FFD];
	_ =	sdelay $0x3  }
0x96: {  	_ =	strace s2  }
0x97: {  	_ =	strace $0x8FFFFFFF  }
0x98: {  	s18 =	sld [smem:$0x3FDB];
	_ =	sdelay $0x1  }
0x99: {  	s19 =	simm.s32 $_scs_section_size  }
0x9a: {  	s4 =	simm.s32 $_size__tile_overlayer_lowered;
	s5 =	simm.s32 $_tile_overlayer_lowered  }
0x9b: {  	s22 =	simm.s32 $0x1BFF;
	s21 =	sshll.u32 s5, $0x1;
	s2 =	sadd.s32 s19, s18  }
0x9c: {  	s6 =	simm.s32 $0x0;
	s20 =	sshll.u32 s4, $0x1;
	s4 =	sadd.s32 s21, s2  }
0x9d: {  	[timem:s6], [sflag:s22] =	dma.local [hbm:s4], s20  }
0x9e: {  	_ =	swait.ge [sflag:s22], s20  }
0x9f: {  	s3 =	ssub.s32 $0x0, s20;
	[sflag:s22] =	ssyncset.done $0x0  }
0xa0: {  	[sflag:s22] =	ssyncadd.s32 s3;
	_ =	sdelay $0x1  }
0xa1: {  	s23 =	simm.s32 $0x1B8B  }
0xa2: {  	_ =	swait.ge [sflag:s23], $0x1  }
0xa3: {  	[sflag:s23] =	ssyncset.done $0x0  }
0xa4: {  	s25 =	simm.s32 $0x1B8E;
	s24 =	sld [smem:$0x3FFE];
	[sflag:s23] =	ssyncadd.s32 $0xFFFFFFFF  }
0xa5: {  	s26 =	simm.s32 $execute0_lowered;
	[smem:$0x3FD2] =	sst s25  }
0xa6: {  	s4 =	sshll.u32 s26, $0x1;
	_ =	strace $0x80000049;
	[dreg:$0x1] =	wrdreg $0xFFFFFFFF  }
0xa7: {  	s28 =	simm.s32 $_size_execute0_lowered;
	s2 =	sadd.s32 s2, s4;
	[dreg:$0x0] =	wrdreg $0x0  }
0xa8: {  	s4 =	sshll.u32 s28, $0x1;
	[dreg:$0x2] =	wrdreg s2  }
0xa9: {  	[dreg:$0x3] =	wrdreg s4  }
0xaa: {  	[dreg:$0x4] =	wrdreg $0xC0  }
0xab: {  	_ =	task [dreg:s6], $0x5FFFF  }
0xac: {  	[dreg:$0x1] =	wrdreg $0xFFFFFFFF  }
0xad: {  	[dreg:$0x0] =	wrdreg $0x60  }
0xae: {  	[dreg:$0x2] =	wrdreg s24  }
0xaf: {  	[dreg:$0x3] =	wrdreg $0xD0000  }
0xb0: {  	[dreg:$0x4] =	wrdreg $0x9  }
0xb1: {  	_ =	task.clear_ibuf [dreg:s6], $0x5FFFF;
	_ =	strace $0x90000049  }
0xb2: {  	s29 =	simm.s32 $0x9;
	_ =	strace $0x8000004B  }
0xb3: {  	_ =	swait.ge [sflag:s29], $0x1  }
0xb4: {  	[sflag:s29] =	ssyncadd.s32 $0xFFFFFFFF  }
0xb5: {  	_ =	strace $0x9000004B  }
0xb6: {  	_ =	sfence  }
0xb7: {  	s30 =	sld [smem:$0x0];
	_ =	sdelay $0x2  }
0xb8: {  	s31 =	sshll.u32 s1, $0xD;
	s1 =	sshrl.u32 s1, $0x2  }
0xb9: {  	s3 =	sand.u32 $0x4000, s31;
	s1 =	sadd.s32 s1, s30  }
0xba: {  	s0 =	sor.u32 s3, s0;
	s1 =	sshll.u32 s1, $0x11  }
0xbb: {  	s0 =	sor.u32 s1, s0  }
0xbc: {  	s0 =	sadd.s32 $0x8F2B, s0  }
0xbd: {  	[sflag:s0] =	ssyncadd.remote.s32 $0x1  }
0xbe: {  	_ =	sfence.sel $0xFFFF  }
0xbf: {  	[dreg:$0x0] =	wrdreg $0xFFFFFFFF;
	(pc) =	sbr.abs _section_cstart, $3  }
0xc0: {  	[dreg:$0x1] =	wrdreg $0xFFFFFFFF  }
0xc1: {  	_ =	task.clear_ibuf [dreg:s6], $0x2FFFF;
	_ =	strace $0x9FFFFFFF  }
0xc2: {  	(tm) =	ssettm $0x7FFFFFFF  }
0xc3: {  	_ =	shalt  }
tec
execute0_lowered:
.L_overlay_start_1:
0x0: {  	(tag) =	ssettag $0x1  }
0x1: {  	s0 =	srdreg.scid  }
0x2: {  	s24 =	stileid.u32;
	s5 =	rddreg [dreg:$0x0]  }
0x3: {  	s13 =	simm.s32 $0x2800;
	s14 =	simm.s32 $0x80;
	s15 =	simm.s32 $0x5000  }
0x4: {  	s16 =	simm.s32 $0x7000;
	s17 =	simm.s32 $0x100;
	s18 =	simm.s32 $0x9000  }
0x5: {  	s19 =	simm.s32 $0x180;
	s20 =	simm.s32 $0xB000;
	s21 =	simm.s32 $0x1  }
0x6: {  	s22 =	simm.s32 $0x2;
	s23 =	simm.s32 $0x3;
	s28 =	simm.s32 $0x4F00  }
0x7: {  	s29 =	simm.s32 $0x4F80;
	s30 =	simm.s32 $0x0;
	s1 =	sand.u32 $0x1, s0  }
0x8: {  	s7 =	smul.u32 $0x13C00, s24;
	s4 =	sadd.s32 $0x33400, s5;
	s31 =	sshll.u32 s24, $0x6  }
0x9: {  	s2 =	sshll.u32 s1, $0x4;
	s8 =	smul.u32 $0x13C000, s1;
	s1 =	ssub.s32 $0x2, s1  }
0xa: {  	s3 =	sor.u32 s24, s2;
	s2 =	rddreg [dreg:$0x1];
	s25 =	sshrl.u32 s7, $0x4  }
0xb: {  	s10 =	sshrl.u32 s1, $0x1;
	s26 =	sshrl.u32 s7, $0x1;
	s24 =	simm.s32 $0x4  }
0xc: {  	s6 =	smul.u32 $0x500, s3;
	s3 =	simm.s32 $0x0;
	s8 =	sadd.s32 s7, s8  }
0xd: {  	s1 =	ssub.s32 s1, s10;
	s12 =	sadd.s32 s26, s2;
	s26 =	simm.s32 $0x4E80  }
0xe: {  	[smem:$0x7FF] =	sst s3;
	s8 =	sshrl.u32 s8, $0x4;
	s10 =	smax.u32 s1, $0x1  }
0xf: {  	_ =	strace $0x8000004A;
	s9 =	sadd.s32 s6, s5;
	s6 =	sadd.s32 s25, s5  }
0x10: {  	s11 =	sadd.s32 s8, s5;
	s25 =	simm.s32 $0x4E00;
	s5 =	sadd.s32 $0x1F800, s6  }
0x11: {  	s6 =	sor.u32 $0x1C05, s31;
	s7 =	sadd.s32 $0x1800, s9;
	s8 =	sadd.s32 $0xB800, s9  }
0x12: {  	s9 =	sadd.s32 $0x47000, s11;
	s11 =	sshrl.u32 s12, $0x3;
	s12 =	simm.s32 $0x5  }
.LBB2_1:
0x13: {  	[spmem:s11], [sflag:s6] =	dma.local [hbm:s5], $0x13C0  }
0x14: {  	_ =	swait.ge [sflag:s12], $0x13C0  }
0x15: {  	[sflag:s12] =	ssyncset.done $0x0  }
0x16: {  	[sflag:s12] =	ssyncadd.s32 $0xFFFFEC40  }
0x17: {  	[tilespmem:s3], [sflag:$0x5] =	stream.linear.gather [hbm4b:s7+s3], $0x2800, $0x38;
	[tilespmem:$0x16E00] =	vst v63  }
0x18: {  	_ =	swait.ge [sflag:s12], $0x2800  }
0x19: {  	[sflag:s12] =	ssyncset.done $0x0  }
0x1a: {  	[sflag:s12] =	ssyncadd.s32 $0xFFFFD800  }
0x1b: {  	[tilespmem:s13], [sflag:$0x5] =	stream.linear.gather [hbm4b:s8+s3], $0x2800, $0x38;
	[tilespmem:$0x16E00] =	vst v63  }
0x1c: {  	_ =	swait.ge [sflag:s12], $0x2800  }
0x1d: {  	[sflag:s12] =	ssyncset.done $0x0  }
0x1e: {  	[sflag:s12] =	ssyncadd.s32 $0xFFFFD800  }
0x1f: {  	[bflag:$0x0] =	sbarrier.arrive $0xFFFF  }
0x20: {  	[tilespmem:s15], [sflag:$0x1] =	stream.indirect.gather [hbm4b:s4+s14], $0x40, s3, s14, $0xb8;
	[tilespmem:$0x16E00] =	vst v63  }
0x21: {  	_ = 	snop  }
0x22: {  	[tilespmem:s16], [sflag:$0x2] =	stream.indirect.gather [hbm4b:s4+s14], $0x40, s14, s14, $0xb8;
	[tilespmem:$0x16E00] =	vst v63  }
0x23: {  	_ = 	snop  }
0x24: {  	[tilespmem:s18], [sflag:$0x3] =	stream.indirect.gather [hbm4b:s4+s14], $0x40, s17, s14, $0xb8;
	[tilespmem:$0x16E00] =	vst v63  }
0x25: {  	_ = 	snop  }
0x26: {  	[tilespmem:s20], [sflag:$0x4] =	stream.indirect.gather [hbm4b:s4+s14], $0x40, s19, s14, $0xb8;
	[tilespmem:$0x16E00] =	vst v63  }
0x27: {  	_ =	swait.ge [sflag:s21], $0x2000  }
0x28: {  	[sflag:s21] =	ssyncset.done $0x0  }
0x29: {  	s1 =	simm.s32 $0x2800;
	[sflag:s21] =	ssyncadd.s32 $0xFFFFE000  }
0x2a: {  	[spmem:s2] =	stream.indirect.scatter.add.bf16 [tilespmem:s15], [sflag:$0x5], $0x40, s1, s14, $0xb8;
	[tilespmem:$0x16E00] =	vst v63  }
0x2b: {  	_ =	swait.ge [sflag:s12], $0x2000  }
0x2c: {  	[sflag:s12] =	ssyncset.done $0x0  }
0x2d: {  	s0 =	simm.s32 $0x200;
	[sflag:s12] =	ssyncadd.s32 $0xFFFFE000  }
0x2e: {  	[tilespmem:s15], [sflag:$0x1] =	stream.indirect.gather [hbm4b:s4+s14], $0x40, s0, s14, $0xb8;
	[tilespmem:$0x16E00] =	vst v63  }
0x2f: {  	_ =	swait.ge [sflag:s22], $0x2000  }
0x30: {  	[sflag:s22] =	ssyncset.done $0x0  }
0x31: {  	s0 =	simm.s32 $0x2880;
	[sflag:s22] =	ssyncadd.s32 $0xFFFFE000  }
0x32: {  	[spmem:s2] =	stream.indirect.scatter.add.bf16 [tilespmem:s16], [sflag:$0x5], $0x40, s0, s14, $0xb8;
	[tilespmem:$0x16E00] =	vst v63  }
0x33: {  	_ =	swait.ge [sflag:s12], $0x2000  }
0x34: {  	[sflag:s12] =	ssyncset.done $0x0  }
0x35: {  	s0 =	simm.s32 $0x280;
	[sflag:s12] =	ssyncadd.s32 $0xFFFFE000  }
0x36: {  	[tilespmem:s16], [sflag:$0x2] =	stream.indirect.gather [hbm4b:s4+s14], $0x40, s0, s14, $0xb8;
	[tilespmem:$0x16E00] =	vst v63  }
0x37: {  	_ =	swait.ge [sflag:s23], $0x2000  }
0x38: {  	[sflag:s23] =	ssyncset.done $0x0  }
0x39: {  	s0 =	simm.s32 $0x2900;
	[sflag:s23] =	ssyncadd.s32 $0xFFFFE000  }
0x3a: {  	[spmem:s2] =	stream.indirect.scatter.add.bf16 [tilespmem:s18], [sflag:$0x5], $0x40, s0, s14, $0xb8;
	[tilespmem:$0x16E00] =	vst v63  }
0x3b: {  	_ =	swait.ge [sflag:s12], $0x2000  }
0x3c: {  	[sflag:s12] =	ssyncset.done $0x0  }
0x3d: {  	s0 =	simm.s32 $0x300;
	[sflag:s12] =	ssyncadd.s32 $0xFFFFE000  }
0x3e: {  	[tilespmem:s18], [sflag:$0x3] =	stream.indirect.gather [hbm4b:s4+s14], $0x40, s0, s14, $0xb8;
	[tilespmem:$0x16E00] =	vst v63  }
0x3f: {  	_ =	swait.ge [sflag:s24], $0x2000  }
0x40: {  	[sflag:s24] =	ssyncset.done $0x0  }
0x41: {  	s0 =	simm.s32 $0x2980;
	[sflag:s24] =	ssyncadd.s32 $0xFFFFE000  }
0x42: {  	[spmem:s2] =	stream.indirect.scatter.add.bf16 [tilespmem:s20], [sflag:$0x5], $0x40, s0, s14, $0xb8;
	[tilespmem:$0x16E00] =	vst v63  }
0x43: {  	_ =	swait.ge [sflag:s12], $0x2000  }
0x44: {  	[sflag:s12] =	ssyncset.done $0x0  }
0x45: {  	s31 =	simm.s32 $0x800;
	s1 =	simm.s32 $0x380;
	[sflag:s12] =	ssyncadd.s32 $0xFFFFE000  }
.LBB2_2:
0x46: {  	[tilespmem:s20], [sflag:$0x4] =	stream.indirect.gather [hbm4b:s4+s14], $0x40, s1, s14, $0xb8;
	[tilespmem:$0x16E00] =	vst v63  }
0x47: {  	s1 =	smov.u32 s31  }
0x48: {  	p0 =	sne.s32 s31, $0x9000;
	s31 =	sadd.s32 $0x800, s31;
	_ =	swait.ge [sflag:s21], $0x2000  }
0x49: {  	s1 =	sshra.s32 s1, $0x2;
	[sflag:s21] =	ssyncset.done $0x0  }
0x4a: {  	s0 =	sadd.s32 $0x2800, s1;
	[sflag:s21] =	ssyncadd.s32 $0xFFFFE000  }
0x4b: {  	[spmem:s2] =	stream.indirect.scatter.add.bf16 [tilespmem:s15], [sflag:$0x5], $0x40, s0, s14, $0xb8;
	[tilespmem:$0x16E00] =	vst v63  }
0x4c: {  	_ =	swait.ge [sflag:s12], $0x2000  }
0x4d: {  	[sflag:s12] =	ssyncset.done $0x0  }
0x4e: {  	s0 =	sadd.s32 $0x200, s1;
	[sflag:s12] =	ssyncadd.s32 $0xFFFFE000  }
0x4f: {  	[tilespmem:s15], [sflag:$0x1] =	stream.indirect.gather [hbm4b:s4+s14], $0x40, s0, s14, $0xb8;
	[tilespmem:$0x16E00] =	vst v63  }
0x50: {  	_ =	swait.ge [sflag:s22], $0x2000  }
0x51: {  	[sflag:s22] =	ssyncset.done $0x0  }
0x52: {  	s0 =	sadd.s32 $0x2880, s1;
	[sflag:s22] =	ssyncadd.s32 $0xFFFFE000  }
0x53: {  	[spmem:s2] =	stream.indirect.scatter.add.bf16 [tilespmem:s16], [sflag:$0x5], $0x40, s0, s14, $0xb8;
	[tilespmem:$0x16E00] =	vst v63  }
0x54: {  	_ =	swait.ge [sflag:s12], $0x2000  }
0x55: {  	[sflag:s12] =	ssyncset.done $0x0  }
0x56: {  	s0 =	sadd.s32 $0x280, s1;
	[sflag:s12] =	ssyncadd.s32 $0xFFFFE000  }
0x57: {  	[tilespmem:s16], [sflag:$0x2] =	stream.indirect.gather [hbm4b:s4+s14], $0x40, s0, s14, $0xb8;
	[tilespmem:$0x16E00] =	vst v63  }
0x58: {  	_ =	swait.ge [sflag:s23], $0x2000  }
0x59: {  	[sflag:s23] =	ssyncset.done $0x0  }
0x5a: {  	s0 =	sadd.s32 $0x2900, s1;
	[sflag:s23] =	ssyncadd.s32 $0xFFFFE000  }
0x5b: {  	[spmem:s2] =	stream.indirect.scatter.add.bf16 [tilespmem:s18], [sflag:$0x5], $0x40, s0, s14, $0xb8;
	[tilespmem:$0x16E00] =	vst v63  }
0x5c: {  	_ =	swait.ge [sflag:s12], $0x2000  }
0x5d: {  	[sflag:s12] =	ssyncset.done $0x0  }
0x5e: {  	s0 =	sadd.s32 $0x300, s1;
	[sflag:s12] =	ssyncadd.s32 $0xFFFFE000  }
0x5f: {  	[tilespmem:s18], [sflag:$0x3] =	stream.indirect.gather [hbm4b:s4+s14], $0x40, s0, s14, $0xb8;
	[tilespmem:$0x16E00] =	vst v63  }
0x60: {  	_ =	swait.ge [sflag:s24], $0x2000  }
0x61: {  	[sflag:s24] =	ssyncset.done $0x0  }
.Ltmp0:
0x62: {  	s0 =	sadd.s32 $0x2980, s1;
	[sflag:s24] =	ssyncadd.s32 $0xFFFFE000;
	(pc) =	sbr.rel @p0 .LBB2_2-.Ltmp0, $4  }
0x63: {  	[spmem:s2] =	stream.indirect.scatter.add.bf16 [tilespmem:s20], [sflag:$0x5], $0x40, s0, s14, $0xb8;
	[tilespmem:$0x16E00] =	vst v63  }
0x64: {  	_ =	swait.ge [sflag:s12], $0x2000  }
0x65: {  	[sflag:s12] =	ssyncset.done $0x0  }
0x66: {  	s1 =	sadd.s32 $0x380, s1;
	[sflag:s12] =	ssyncadd.s32 $0xFFFFE000  }
0x67: {  	[tilespmem:s20], [sflag:$0x4] =	stream.indirect.gather [hbm4b:s4+s14], $0x40, s1, s14, $0xb8;
	[tilespmem:$0x16E00] =	vst v63  }
0x68: {  	_ =	swait.ge [sflag:s21], $0x2000  }
0x69: {  	[sflag:s21] =	ssyncset.done $0x0  }
0x6a: {  	[sflag:s21] =	ssyncadd.s32 $0xFFFFE000  }
0x6b: {  	[spmem:s2] =	stream.indirect.scatter.add.bf16 [tilespmem:s15], [sflag:$0x5], $0x40, s25, s14, $0xb8;
	[tilespmem:$0x16E00] =	vst v63  }
0x6c: {  	_ =	swait.ge [sflag:s12], $0x2000  }
0x6d: {  	[sflag:s12] =	ssyncset.done $0x0  }
0x6e: {  	[sflag:s12] =	ssyncadd.s32 $0xFFFFE000  }
0x6f: {  	_ =	swait.ge [sflag:s22], $0x2000  }
0x70: {  	[sflag:s22] =	ssyncset.done $0x0  }
0x71: {  	[sflag:s22] =	ssyncadd.s32 $0xFFFFE000  }
0x72: {  	[spmem:s2] =	stream.indirect.scatter.add.bf16 [tilespmem:s16], [sflag:$0x5], $0x40, s26, s14, $0xb8;
	[tilespmem:$0x16E00] =	vst v63  }
0x73: {  	_ =	swait.ge [sflag:s12], $0x2000  }
0x74: {  	[sflag:s12] =	ssyncset.done $0x0  }
0x75: {  	[sflag:s12] =	ssyncadd.s32 $0xFFFFE000  }
0x76: {  	_ =	swait.ge [sflag:s23], $0x2000  }
0x77: {  	[sflag:s23] =	ssyncset.done $0x0  }
0x78: {  	[sflag:s23] =	ssyncadd.s32 $0xFFFFE000  }
0x79: {  	[spmem:s2] =	stream.indirect.scatter.add.bf16 [tilespmem:s18], [sflag:$0x5], $0x40, s28, s14, $0xb8;
	[tilespmem:$0x16E00] =	vst v63  }
0x7a: {  	_ =	swait.ge [sflag:s12], $0x2000  }
0x7b: {  	[sflag:s12] =	ssyncset.done $0x0  }
0x7c: {  	[sflag:s12] =	ssyncadd.s32 $0xFFFFE000  }
0x7d: {  	_ =	swait.ge [sflag:s24], $0x2000  }
0x7e: {  	[sflag:s24] =	ssyncset.done $0x0  }
0x7f: {  	[sflag:s24] =	ssyncadd.s32 $0xFFFFE000  }
0x80: {  	[spmem:s2] =	stream.indirect.scatter.add.bf16 [tilespmem:s20], [sflag:$0x5], $0x40, s29, s14, $0xb8;
	[tilespmem:$0x16E00] =	vst v63  }
0x81: {  	_ =	swait.ge [sflag:s12], $0x2000  }
0x82: {  	s30 =	sadd.s32 $0x1, s30;
	[sflag:s12] =	ssyncset.done $0x0  }
0x83: {  	p0 =	sne.s32 s30, s10;
	[sflag:s12] =	ssyncadd.s32 $0xFFFFE000  }
.Ltmp1:
0x84: {  	[bflag:$0x0] =	sbarrier.arrive $0xFFFF;
	(pc) =	sbr.rel @p0 .LBB2_1-.Ltmp1, $4  }
0x85: {  	[hbm:s9], [sflag:s6] =	dma.local [spmem:s11], $0x13C0  }
0x86: {  	_ =	swait.ge [sflag:s12], $0x13C0  }
0x87: {  	[sflag:s12] =	ssyncset.done $0x0  }
0x88: {  	[sflag:s12] =	ssyncadd.s32 $0xFFFFEC40  }
0x89: {  	_ =	sfence.sel $0x180000  }
0x8a: {  	[bflag:$0x0] =	sbarrier.arrive $0xFFFF  }
0x8b: {  	_ =	strace $0x9000004A  }
0x8c: {  	s0 =	stileid.u32;
	[bflag:$0x2] =	sbarrier.arrive $0xFFFF  }
0x8d: {  	p0 =	sne.s32 s0, $0x0;
	s0 =	rddreg [dreg:$0x2]  }
0x8e: {  	s0 =	sadd.s32 @!p0 $0x100000, s0  }
0x8f: {  	[sflag:s0] =	ssyncadd.tile.s32 @!p0 $0x1;
	_ =	shalt  }
.Lfunc_end2:
_tile_overlayer_lowered:
.L_overlay_start_2:
0x90: {  	(tag) =	ssettag $0x2  }
0x91: {  	s0 =	rddreg [dreg:$0x0];
	s2 =	stileid.u32  }
0x92: {  	s1 =	rddreg [dreg:$0x1];
	p0 =	sne.s32 s2, $0x0  }
0x93: {  	s3 =	rddreg [dreg:$0x2];
	[bflag:$0x3] =	sbarrier.arrive $0xFFFF;
	s2 =	simm.s32 @!p0 $0x1C05  }
0x94: {  	[timem:s3], [sflag:s2] =	dma.local @!p0 [hbm:s0], s1  }
0x95: {  	s0 =	simm.s32 @!p0 $0x5  }
0x96: {  	_ =	swait.ge @!p0 [sflag:s0], s1  }
0x97: {  	s1 =	ssub.s32 @!p0 $0x0, s1;
	[sflag:s0] =	ssyncset.done @!p0 $0x0  }
0x98: {  	[sflag:s0] =	ssyncadd.s32 @!p0 s1  }
0x99: {  	[bflag:$0x3] =	sbarrier.arrive $0xFFFF  }
0x9a: {  	_ =	shalt  }

// kernel: kernel.15.cloned.1.call-start
scs
__scs_entry_jumppad:
0x0: {  	(pc) =	sbr.rel $0x88, $3  }
0x1: {  	(tag) =	ssettag $0x0;
	lr =	simm.s32 $0x1  }
0x2: {  	[smem:$0x3F9B] =	sst lr;
	_ =	strace $0xD0000000  }
0x3: {  	_ = 	snop  }
0x4: {  	_ = 	snop  }
0x5: {  	_ = 	snop  }
0x6: {  	_ = 	snop  }
0x7: {  	_ = 	snop  }
__scs_overlays_trampoline_lowered:
0x8: {  	[smem:$0x3FAA] =	sst s0  }
0x9: {  	[smem:$0x3FAB] =	sst s1  }
0xa: {  	[smem:$0x3FAC] =	sst s2  }
0xb: {  	[smem:$0x3FAD] =	sst s3  }
0xc: {  	[smem:$0x3FAE] =	sst s4  }
0xd: {  	[smem:$0x3FAF] =	sst s5  }
0xe: {  	[smem:$0x3FB0] =	sst s6  }
0xf: {  	[smem:$0x3FB1] =	sst s7  }
0x10: {  	[smem:$0x3FB2] =	sst s8  }
0x11: {  	[smem:$0x3FB3] =	sst s9;
	s0 =	simm.s32 @!p0 $0x0  }
0x12: {  	s1 =	sld [smem:$0x3F99];
	s0 =	simm.s32 @p0 $0x1  }
0x13: {  	[smem:$0x3FB4] =	sst s0;
	s0 =	simm.s32 @!p1 $0x0  }
0x14: {  	s2 =	sld [smem:$0x3F98];
	s0 =	simm.s32 @p1 $0x1  }
0x15: {  	[smem:$0x3FB5] =	sst s0;
	s0 =	simm.s32 @!p2 $0x0  }
0x16: {  	s3 =	sld [smem:$0x3FDB];
	s0 =	simm.s32 @p2 $0x1  }
0x17: {  	s4 =	simm.s32 $0x1BF5;
	[smem:$0x3FB7] =	sst s0  }
0x18: {  	s0 =	sld [smem:$0x3F9A];
	_ =	swait.ge [sflag:s4], $0x0  }
0x19: {  	s7 =	sld [smem:$0x3F9B]  }
0x1a: {  	s8 =	sadd.s32 $0xFFFFE003, lr  }
0x1b: {  	s9 =	sadd.s32 $0xFFFFFEF7, lr;
	s5 =	simm.s32 $0xFFFFFFFF;
	p2 =	slt.u32 s8, $0xFFFFF086  }
0x1c: {  	p1 =	slt.u32 s9, $0xF7A;
	s5 =	simm.s32 @!p2 $0x0  }
0x1d: {  	s5 =	simm.s32 @p1 $0x1;
	p0 =	seq.s32 s7, s2  }
0x1e: {  	s7 =	smul.u32 @!p0 $0xF7A, s2;
	p2 =	seq.s32 @!p0 s5, $0x0  }
0x1f: {  	s9 =	smul.u32 $0xF7A, s1;
	s8 =	simm.s32 @!p0 $0x1BF5;
	p2 =	por !p2, p0  }
0x20: {  	[sflag:s8] =	ssyncset.s32 @!p0 $0xFFFFF086;
	s6 =	sadd.s32 @!p0 s3, s7;
	s7 =	simm.s32 @!p0 $0x108  }
0x21: {  	s3 =	sadd.s32 s3, s9;
	s6 =	sadd.s32 @!p0 $0x88, s6;
	s7 =	simm.s32 @p2 $0x1082  }
0x22: {  	[simem:s7], [sflag:s8] =	dma.local @!p0 [hbm:s6], $0xF7A  }
0x23: {  	s9 =	sor.u32 $0xD0000000, s2;
	s6 =	simm.s32 $0x108;
	_ =	swait.ge @!p0 [sflag:s8], $0x0  }
0x24: {  	s3 =	sadd.s32 $0x88, s3;
	s6 =	simm.s32 @!p1 $0x1082;
	[sflag:s4] =	ssyncset.s32 $0xFFFFF086  }
0x25: {  	[simem:s6], [sflag:s4] =	dma.local [hbm:s3], $0xF7A  }
0x26: {  	[smem:$0x3F9B] =	sst s1;
	(tag) =	ssettag s2;
	_ =	strace s9  }
0x27: {  	s1 =	sld [smem:$0x3FAB]  }
0x28: {  	s2 =	sld [smem:$0x3FAC]  }
0x29: {  	s4 =	sld [smem:$0x3FAE]  }
0x2a: {  	p0 =	seq.s32 s5, $0x0;
	s5 =	sld [smem:$0x3FAF]  }
0x2b: {  	s6 =	sld [smem:$0x3FB0]  }
0x2c: {  	s7 =	sld [smem:$0x3FB1]  }
0x2d: {  	s3 =	simm.s32 $0x108;
	s8 =	sld [smem:$0x3FB2]  }
0x2e: {  	s3 =	simm.s32 @!p0 $0x1082;
	s9 =	sld [smem:$0x3FB3]  }
0x2f: {  	lr =	sadd.s32 s0, s3;
	s0 =	sld [smem:$0x3FAA]  }
0x30: {  	s3 =	sld [smem:$0x3FAD]  }
0x31: {  	[smem:$0x3FB6] =	sst s10  }
0x32: {  	s10 =	sld [smem:$0x3FB4];
	_ =	sdelay $0x3  }
0x33: {  	p0 =	seq.s32 s10, $0x1;
	s10 =	sld [smem:$0x3FB6];
	_ =	sdelay $0x3  }
0x34: {  	[smem:$0x3FB6] =	sst s10  }
0x35: {  	s10 =	sld [smem:$0x3FB5];
	_ =	sdelay $0x3  }
0x36: {  	p1 =	seq.s32 s10, $0x1;
	s10 =	sld [smem:$0x3FB6];
	_ =	sdelay $0x3  }
0x37: {  	[smem:$0x3FB6] =	sst s10  }
0x38: {  	s10 =	sld [smem:$0x3FB7]  }
0x39: {  	_ = 	snop;
	(pc) =	sbr.ind lr, $3  }
0x3a: {  	_ = 	snop  }
0x3b: {  	_ = 	snop  }
0x3c: {  	p2 =	seq.s32 s10, $0x1;
	s10 =	sld [smem:$0x3FB6]  }
0x3d: {  	_ =	shalt  }
0x3e: {  	_ =	shalt  }
0x3f: {  	_ =	shalt  }
0x40: {  	_ =	shalt  }
0x41: {  	_ =	shalt  }
0x42: {  	_ =	shalt  }
0x43: {  	_ =	shalt  }
0x44: {  	_ =	shalt  }
0x45: {  	_ =	shalt  }
0x46: {  	_ =	shalt  }
0x47: {  	_ =	shalt  }
0x48: {  	_ =	shalt  }
0x49: {  	_ =	shalt  }
0x4a: {  	_ =	shalt  }
0x4b: {  	_ =	shalt  }
0x4c: {  	_ =	shalt  }
0x4d: {  	_ =	shalt  }
0x4e: {  	_ =	shalt  }
0x4f: {  	_ =	shalt  }
0x50: {  	_ =	shalt  }
0x51: {  	_ =	shalt  }
0x52: {  	_ =	shalt  }
0x53: {  	_ =	shalt  }
0x54: {  	_ =	shalt  }
0x55: {  	_ =	shalt  }
0x56: {  	_ =	shalt  }
0x57: {  	_ =	shalt  }
0x58: {  	_ =	shalt  }
0x59: {  	_ =	shalt  }
0x5a: {  	_ =	shalt  }
0x5b: {  	_ =	shalt  }
0x5c: {  	_ =	shalt  }
0x5d: {  	_ =	shalt  }
0x5e: {  	_ =	shalt  }
0x5f: {  	_ =	shalt  }
0x60: {  	_ =	shalt  }
0x61: {  	_ =	shalt  }
0x62: {  	_ =	shalt  }
0x63: {  	_ =	shalt  }
0x64: {  	_ =	shalt  }
0x65: {  	_ =	shalt  }
0x66: {  	_ =	shalt  }
0x67: {  	_ =	shalt  }
0x68: {  	_ =	shalt  }
0x69: {  	_ =	shalt  }
0x6a: {  	_ =	shalt  }
0x6b: {  	_ =	shalt  }
0x6c: {  	_ =	shalt  }
0x6d: {  	_ =	shalt  }
0x6e: {  	_ =	shalt  }
0x6f: {  	_ =	shalt  }
0x70: {  	_ =	shalt  }
0x71: {  	_ =	shalt  }
0x72: {  	_ =	shalt  }
0x73: {  	_ =	shalt  }
0x74: {  	_ =	shalt  }
0x75: {  	_ =	shalt  }
0x76: {  	_ =	shalt  }
0x77: {  	_ =	shalt  }
0x78: {  	_ =	shalt  }
0x79: {  	_ =	shalt  }
0x7a: {  	_ =	shalt  }
0x7b: {  	_ =	shalt  }
0x7c: {  	_ =	shalt  }
0x7d: {  	_ =	shalt  }
0x7e: {  	_ =	shalt  }
0x7f: {  	_ =	shalt  }
0x80: {  	_ =	shalt  }
0x81: {  	_ =	shalt  }
0x82: {  	_ =	shalt  }
0x83: {  	_ =	shalt  }
0x84: {  	_ =	shalt  }
0x85: {  	_ =	shalt  }
0x86: {  	_ =	shalt  }
0x87: {  	_ =	shalt  }
.Lfunc_end0:
.L_simem_size_0:
called_computation.2_lowered:
.L_overlay_start_0:
0x88: {  	s2 =	sld [smem:$0x3FD9]  }
0x89: {  	s3 =	sld [smem:$0x3FFE];
	_ =	sdelay $0x1  }
0x8a: {  	s1 =	srdreg.scid  }
0x8b: {  	s0 =	sand.u32 $0x1, s1  }
0x8c: {  	s17 =	sshll.u32 s0, $0xA;
	s2 =	sadd.s32 s3, s2  }
0x8d: {  	s2 =	sadd.s32 s2, s17  }
0x8e: {  	[smem:$0x3FC2] =	sst s2  }
0x8f: {  	_ = 	snop  }
0x90: {  	s2 =	sld [smem:$0x3FD0];
	(tm) =	ssettm $0x1  }
0x91: {  	s18 =	sld [smem:$0x3FFB];
	_ =	sdelay $0x3  }
0x92: {  	_ =	strace s18  }
0x93: {  	s3 =	sld [smem:$0x3FFC];
	_ =	sdelay $0x3  }
0x94: {  	_ =	strace s3  }
0x95: {  	s3 =	sld [smem:$0x3FFD];
	_ =	sdelay $0x3  }
0x96: {  	_ =	strace s3  }
0x97: {  	_ =	strace $0x8FFFFFFF  }
0x98: {  	s19 =	sld [smem:$0x3FDB];
	_ =	sdelay $0x1  }
0x99: {  	s4 =	simm.s32 $_scs_section_size  }
0x9a: {  	s5 =	simm.s32 $_size__tile_overlayer_lowered;
	s6 =	simm.s32 $_tile_overlayer_lowered  }
0x9b: {  	s22 =	simm.s32 $0x1BFF;
	s21 =	sshll.u32 s6, $0x1;
	s3 =	sadd.s32 s4, s19  }
0x9c: {  	s7 =	simm.s32 $0x0;
	s20 =	sshll.u32 s5, $0x1;
	s5 =	sadd.s32 s21, s3  }
0x9d: {  	[timem:s7], [sflag:s22] =	dma.local [hbm:s5], s20  }
0x9e: {  	_ =	swait.ge [sflag:s22], s20  }
0x9f: {  	s4 =	ssub.s32 $0x0, s20;
	[sflag:s22] =	ssyncset.done $0x0  }
0xa0: {  	[sflag:s22] =	ssyncadd.s32 s4;
	_ =	sdelay $0x1  }
0xa1: {  	s23 =	simm.s32 $0x1B8B  }
0xa2: {  	_ =	swait.ge [sflag:s23], $0x1  }
0xa3: {  	[sflag:s23] =	ssyncset.done $0x0  }
0xa4: {  	s25 =	simm.s32 $0x1B8E;
	s24 =	sld [smem:$0x3FFE];
	[sflag:s23] =	ssyncadd.s32 $0xFFFFFFFF  }
0xa5: {  	s26 =	simm.s32 $execute0_lowered;
	[smem:$0x3FD2] =	sst s25  }
0xa6: {  	s5 =	sshll.u32 s26, $0x1;
	_ =	strace $0x8000004C;
	[dreg:$0x1] =	wrdreg $0xFFFFFFFF  }
0xa7: {  	s28 =	simm.s32 $_size_execute0_lowered;
	s3 =	sadd.s32 s3, s5;
	[dreg:$0x0] =	wrdreg $0x0  }
0xa8: {  	s5 =	sshll.u32 s28, $0x1;
	[dreg:$0x2] =	wrdreg s3  }
0xa9: {  	[dreg:$0x3] =	wrdreg s5  }
0xaa: {  	[dreg:$0x4] =	wrdreg $0xC0  }
0xab: {  	_ =	task [dreg:s7], $0x5FFFF  }
0xac: {  	[dreg:$0x1] =	wrdreg $0xFFFFFFFF  }
0xad: {  	[dreg:$0x0] =	wrdreg $0x60  }
0xae: {  	[dreg:$0x2] =	wrdreg s24  }
0xaf: {  	[dreg:$0x3] =	wrdreg s2  }
0xb0: {  	[dreg:$0x4] =	wrdreg $0x70000  }
0xb1: {  	[dreg:$0x5] =	wrdreg $0x9  }
0xb2: {  	_ =	task.clear_ibuf [dreg:s7], $0x6FFFF;
	_ =	strace $0x9000004C  }
0xb3: {  	s29 =	simm.s32 $0x9;
	_ =	strace $0x8000004E  }
0xb4: {  	_ =	swait.ge [sflag:s29], $0x1  }
0xb5: {  	[sflag:s29] =	ssyncadd.s32 $0xFFFFFFFF  }
0xb6: {  	_ =	strace $0x9000004E  }
0xb7: {  	_ =	sfence  }
0xb8: {  	s30 =	sld [smem:$0x0];
	_ =	sdelay $0x2  }
0xb9: {  	s31 =	sshll.u32 s1, $0xD;
	s1 =	sshrl.u32 s1, $0x2  }
0xba: {  	s3 =	sand.u32 $0x4000, s31;
	s1 =	sadd.s32 s1, s30  }
0xbb: {  	s0 =	sor.u32 s3, s0;
	s1 =	sshll.u32 s1, $0x11  }
0xbc: {  	s0 =	sor.u32 s1, s0  }
0xbd: {  	s0 =	sadd.s32 $0x8F2B, s0  }
0xbe: {  	[sflag:s0] =	ssyncadd.remote.s32 $0x1  }
0xbf: {  	_ =	sfence.sel $0xFFFF  }
0xc0: {  	[dreg:$0x0] =	wrdreg $0xFFFFFFFF;
	(pc) =	sbr.abs _section_cstart, $3  }
0xc1: {  	[dreg:$0x1] =	wrdreg $0xFFFFFFFF  }
0xc2: {  	_ =	task.clear_ibuf [dreg:s7], $0x2FFFF;
	_ =	strace $0x9FFFFFFF  }
0xc3: {  	(tm) =	ssettm $0x7FFFFFFF  }
tec
execute0_lowered:
.L_overlay_start_1:
0x0: {  	(tag) =	ssettag $0x1  }
0x1: {  	s0 =	rddreg [dreg:$0x0]  }
0x2: {  	s5 =	rddreg [dreg:$0x1]  }
0x3: {  	s2 =	rddreg [dreg:$0x2]  }
0x4: {  	s3 =	srdreg.scid;
	s1 =	stileid.u32  }
0x5: {  	s12 =	simm.s32 $0x5;
	s13 =	simm.s32 $0x2800;
	s14 =	simm.s32 $0x80  }
0x6: {  	s15 =	simm.s32 $0x5000;
	s16 =	simm.s32 $0x5800;
	s17 =	simm.s32 $0x100  }
0x7: {  	s18 =	simm.s32 $0x6000;
	s19 =	simm.s32 $0x180;
	s20 =	simm.s32 $0x6800  }
0x8: {  	s21 =	simm.s32 $0x1;
	s22 =	simm.s32 $0x2;
	s23 =	simm.s32 $0x3  }
0x9: {  	s24 =	simm.s32 $0x4;
	s25 =	simm.s32 $0x4E00;
	s28 =	simm.s32 $0x4F00  }
0xa: {  	s29 =	simm.s32 $0x4F80;
	s30 =	simm.s32 $0x0;
	s6 =	sand.u32 $0x1, s3  }
0xb: {  	s3 =	simm.s32 $0x0;
	s7 =	smul.u32 $0x2780, s1;
	s31 =	sshll.u32 s1, $0x6  }
0xc: {  	s4 =	sshll.u32 s6, $0x4;
	[smem:$0x7FF] =	sst s3;
	s8 =	smul.u32 $0x27800, s6  }
0xd: {  	s6 =	ssub.s32 $0x2, s6;
	s4 =	sor.u32 s1, s4;
	_ =	strace $0x8000004D  }
0xe: {  	s10 =	sshrl.u32 s6, $0x1;
	s26 =	sshrl.u32 s7, $0x3;
	s11 =	sadd.s32 s7, s2  }
0xf: {  	s9 =	smul.u32 $0x500, s4;
	s4 =	sadd.s32 $0x15800, s0;
	s8 =	sadd.s32 s7, s8  }
0x10: {  	s10 =	ssub.s32 s6, s10;
	s5 =	sadd.s32 s5, s26;
	s6 =	sor.u32 $0x1C05, s31  }
0x11: {  	s11 =	sshrl.u32 s11, $0x3;
	s26 =	simm.s32 $0x4E80;
	s8 =	sshrl.u32 s8, $0x3  }
0x12: {  	s10 =	smax.u32 s10, $0x1;
	s9 =	sadd.s32 s9, s0;
	s0 =	sadd.s32 s8, s0  }
0x13: {  	s7 =	sadd.s32 $0x1800, s9;
	s8 =	sadd.s32 $0xB800, s9;
	s9 =	sadd.s32 $0x1A800, s0  }
.LBB2_1:
0x14: {  	[spmem:s11], [sflag:s6] =	dma.local [hbm:s5], $0x4F0  }
0x15: {  	_ =	swait.ge [sflag:s12], $0x4F0  }
0x16: {  	[sflag:s12] =	ssyncset.done $0x0  }
0x17: {  	[sflag:s12] =	ssyncadd.s32 $0xFFFFFB10  }
0x18: {  	[tilespmem:s3], [sflag:$0x5] =	stream.linear.gather [hbm4b:s7+s3], $0x2800, $0x38;
	[tilespmem:$0x9780] =	vst v63  }
0x19: {  	_ =	swait.ge [sflag:s12], $0x2800  }
0x1a: {  	[sflag:s12] =	ssyncset.done $0x0  }
0x1b: {  	[sflag:s12] =	ssyncadd.s32 $0xFFFFD800  }
0x1c: {  	[tilespmem:s13], [sflag:$0x5] =	stream.linear.gather [hbm4b:s8+s3], $0x2800, $0x38;
	[tilespmem:$0x9780] =	vst v63  }
0x1d: {  	_ =	swait.ge [sflag:s12], $0x2800  }
0x1e: {  	[sflag:s12] =	ssyncset.done $0x0  }
0x1f: {  	[sflag:s12] =	ssyncadd.s32 $0xFFFFD800  }
0x20: {  	[bflag:$0x0] =	sbarrier.arrive $0xFFFF  }
0x21: {  	[tilespmem:s15], [sflag:$0x1] =	stream.indirect.gather [hbm4b:s4+s14], $0x10, s3, s14, $0xb8;
	[tilespmem:$0x9780] =	vst v63  }
0x22: {  	_ = 	snop  }
0x23: {  	[tilespmem:s16], [sflag:$0x2] =	stream.indirect.gather [hbm4b:s4+s14], $0x10, s14, s14, $0xb8;
	[tilespmem:$0x9780] =	vst v63  }
0x24: {  	_ = 	snop  }
0x25: {  	[tilespmem:s18], [sflag:$0x3] =	stream.indirect.gather [hbm4b:s4+s14], $0x10, s17, s14, $0xb8;
	[tilespmem:$0x9780] =	vst v63  }
0x26: {  	_ = 	snop  }
0x27: {  	[tilespmem:s20], [sflag:$0x4] =	stream.indirect.gather [hbm4b:s4+s14], $0x10, s19, s14, $0xb8;
	[tilespmem:$0x9780] =	vst v63  }
0x28: {  	_ =	swait.ge [sflag:s21], $0x800  }
0x29: {  	[sflag:s21] =	ssyncset.done $0x0  }
0x2a: {  	s0 =	simm.s32 $0x2800;
	[sflag:s21] =	ssyncadd.s32 $0xFFFFF800  }
0x2b: {  	[spmem:s2] =	stream.indirect.scatter.add.f32 [tilespmem:s15], [sflag:$0x5], $0x10, s0, s14, $0xb8;
	[tilespmem:$0x9780] =	vst v63  }
0x2c: {  	_ =	swait.ge [sflag:s12], $0x800  }
0x2d: {  	[sflag:s12] =	ssyncset.done $0x0  }
0x2e: {  	s1 =	simm.s32 $0x200;
	[sflag:s12] =	ssyncadd.s32 $0xFFFFF800  }
0x2f: {  	[tilespmem:s15], [sflag:$0x1] =	stream.indirect.gather [hbm4b:s4+s14], $0x10, s1, s14, $0xb8;
	[tilespmem:$0x9780] =	vst v63  }
0x30: {  	_ =	swait.ge [sflag:s22], $0x800  }
0x31: {  	[sflag:s22] =	ssyncset.done $0x0  }
0x32: {  	s1 =	simm.s32 $0x2880;
	[sflag:s22] =	ssyncadd.s32 $0xFFFFF800  }
0x33: {  	[spmem:s2] =	stream.indirect.scatter.add.f32 [tilespmem:s16], [sflag:$0x5], $0x10, s1, s14, $0xb8;
	[tilespmem:$0x9780] =	vst v63  }
0x34: {  	_ =	swait.ge [sflag:s12], $0x800  }
0x35: {  	[sflag:s12] =	ssyncset.done $0x0  }
0x36: {  	s1 =	simm.s32 $0x280;
	[sflag:s12] =	ssyncadd.s32 $0xFFFFF800  }
0x37: {  	[tilespmem:s16], [sflag:$0x2] =	stream.indirect.gather [hbm4b:s4+s14], $0x10, s1, s14, $0xb8;
	[tilespmem:$0x9780] =	vst v63  }
0x38: {  	_ =	swait.ge [sflag:s23], $0x800  }
0x39: {  	[sflag:s23] =	ssyncset.done $0x0  }
0x3a: {  	s1 =	simm.s32 $0x2900;
	[sflag:s23] =	ssyncadd.s32 $0xFFFFF800  }
0x3b: {  	[spmem:s2] =	stream.indirect.scatter.add.f32 [tilespmem:s18], [sflag:$0x5], $0x10, s1, s14, $0xb8;
	[tilespmem:$0x9780] =	vst v63  }
0x3c: {  	_ =	swait.ge [sflag:s12], $0x800  }
0x3d: {  	[sflag:s12] =	ssyncset.done $0x0  }
0x3e: {  	s1 =	simm.s32 $0x300;
	[sflag:s12] =	ssyncadd.s32 $0xFFFFF800  }
0x3f: {  	[tilespmem:s18], [sflag:$0x3] =	stream.indirect.gather [hbm4b:s4+s14], $0x10, s1, s14, $0xb8;
	[tilespmem:$0x9780] =	vst v63  }
0x40: {  	_ =	swait.ge [sflag:s24], $0x800  }
0x41: {  	[sflag:s24] =	ssyncset.done $0x0  }
0x42: {  	s1 =	simm.s32 $0x2980;
	[sflag:s24] =	ssyncadd.s32 $0xFFFFF800  }
0x43: {  	[spmem:s2] =	stream.indirect.scatter.add.f32 [tilespmem:s20], [sflag:$0x5], $0x10, s1, s14, $0xb8;
	[tilespmem:$0x9780] =	vst v63  }
0x44: {  	_ =	swait.ge [sflag:s12], $0x800  }
0x45: {  	[sflag:s12] =	ssyncset.done $0x0  }
0x46: {  	s31 =	simm.s32 $0x800;
	s0 =	simm.s32 $0x380;
	[sflag:s12] =	ssyncadd.s32 $0xFFFFF800  }
.LBB2_2:
0x47: {  	[tilespmem:s20], [sflag:$0x4] =	stream.indirect.gather [hbm4b:s4+s14], $0x10, s0, s14, $0xb8;
	[tilespmem:$0x9780] =	vst v63  }
0x48: {  	s0 =	smov.u32 s31  }
0x49: {  	p0 =	sne.s32 s31, $0x9000;
	s31 =	sadd.s32 $0x800, s31;
	_ =	swait.ge [sflag:s21], $0x800  }
0x4a: {  	s0 =	sshra.s32 s0, $0x2;
	[sflag:s21] =	ssyncset.done $0x0  }
0x4b: {  	s1 =	sadd.s32 $0x2800, s0;
	[sflag:s21] =	ssyncadd.s32 $0xFFFFF800  }
0x4c: {  	[spmem:s2] =	stream.indirect.scatter.add.f32 [tilespmem:s15], [sflag:$0x5], $0x10, s1, s14, $0xb8;
	[tilespmem:$0x9780] =	vst v63  }
0x4d: {  	_ =	swait.ge [sflag:s12], $0x800  }
0x4e: {  	[sflag:s12] =	ssyncset.done $0x0  }
0x4f: {  	s1 =	sadd.s32 $0x200, s0;
	[sflag:s12] =	ssyncadd.s32 $0xFFFFF800  }
0x50: {  	[tilespmem:s15], [sflag:$0x1] =	stream.indirect.gather [hbm4b:s4+s14], $0x10, s1, s14, $0xb8;
	[tilespmem:$0x9780] =	vst v63  }
0x51: {  	_ =	swait.ge [sflag:s22], $0x800  }
0x52: {  	[sflag:s22] =	ssyncset.done $0x0  }
0x53: {  	s1 =	sadd.s32 $0x2880, s0;
	[sflag:s22] =	ssyncadd.s32 $0xFFFFF800  }
0x54: {  	[spmem:s2] =	stream.indirect.scatter.add.f32 [tilespmem:s16], [sflag:$0x5], $0x10, s1, s14, $0xb8;
	[tilespmem:$0x9780] =	vst v63  }
0x55: {  	_ =	swait.ge [sflag:s12], $0x800  }
0x56: {  	[sflag:s12] =	ssyncset.done $0x0  }
0x57: {  	s1 =	sadd.s32 $0x280, s0;
	[sflag:s12] =	ssyncadd.s32 $0xFFFFF800  }
0x58: {  	[tilespmem:s16], [sflag:$0x2] =	stream.indirect.gather [hbm4b:s4+s14], $0x10, s1, s14, $0xb8;
	[tilespmem:$0x9780] =	vst v63  }
0x59: {  	_ =	swait.ge [sflag:s23], $0x800  }
0x5a: {  	[sflag:s23] =	ssyncset.done $0x0  }
0x5b: {  	s1 =	sadd.s32 $0x2900, s0;
	[sflag:s23] =	ssyncadd.s32 $0xFFFFF800  }
0x5c: {  	[spmem:s2] =	stream.indirect.scatter.add.f32 [tilespmem:s18], [sflag:$0x5], $0x10, s1, s14, $0xb8;
	[tilespmem:$0x9780] =	vst v63  }
0x5d: {  	_ =	swait.ge [sflag:s12], $0x800  }
0x5e: {  	[sflag:s12] =	ssyncset.done $0x0  }
0x5f: {  	s1 =	sadd.s32 $0x300, s0;
	[sflag:s12] =	ssyncadd.s32 $0xFFFFF800  }
0x60: {  	[tilespmem:s18], [sflag:$0x3] =	stream.indirect.gather [hbm4b:s4+s14], $0x10, s1, s14, $0xb8;
	[tilespmem:$0x9780] =	vst v63  }
0x61: {  	_ =	swait.ge [sflag:s24], $0x800  }
0x62: {  	[sflag:s24] =	ssyncset.done $0x0  }
.Ltmp0:
0x63: {  	s1 =	sadd.s32 $0x2980, s0;
	[sflag:s24] =	ssyncadd.s32 $0xFFFFF800;
	(pc) =	sbr.rel @p0 .LBB2_2-.Ltmp0, $4  }
0x64: {  	[spmem:s2] =	stream.indirect.scatter.add.f32 [tilespmem:s20], [sflag:$0x5], $0x10, s1, s14, $0xb8;
	[tilespmem:$0x9780] =	vst v63  }
0x65: {  	_ =	swait.ge [sflag:s12], $0x800  }
0x66: {  	[sflag:s12] =	ssyncset.done $0x0  }
0x67: {  	s0 =	sadd.s32 $0x380, s0;
	[sflag:s12] =	ssyncadd.s32 $0xFFFFF800  }
0x68: {  	[tilespmem:s20], [sflag:$0x4] =	stream.indirect.gather [hbm4b:s4+s14], $0x10, s0, s14, $0xb8;
	[tilespmem:$0x9780] =	vst v63  }
0x69: {  	_ =	swait.ge [sflag:s21], $0x800  }
0x6a: {  	[sflag:s21] =	ssyncset.done $0x0  }
0x6b: {  	[sflag:s21] =	ssyncadd.s32 $0xFFFFF800  }
0x6c: {  	[spmem:s2] =	stream.indirect.scatter.add.f32 [tilespmem:s15], [sflag:$0x5], $0x10, s25, s14, $0xb8;
	[tilespmem:$0x9780] =	vst v63  }
0x6d: {  	_ =	swait.ge [sflag:s12], $0x800  }
0x6e: {  	[sflag:s12] =	ssyncset.done $0x0  }
0x6f: {  	[sflag:s12] =	ssyncadd.s32 $0xFFFFF800  }
0x70: {  	_ =	swait.ge [sflag:s22], $0x800  }
0x71: {  	[sflag:s22] =	ssyncset.done $0x0  }
0x72: {  	[sflag:s22] =	ssyncadd.s32 $0xFFFFF800  }
0x73: {  	[spmem:s2] =	stream.indirect.scatter.add.f32 [tilespmem:s16], [sflag:$0x5], $0x10, s26, s14, $0xb8;
	[tilespmem:$0x9780] =	vst v63  }
0x74: {  	_ =	swait.ge [sflag:s12], $0x800  }
0x75: {  	[sflag:s12] =	ssyncset.done $0x0  }
0x76: {  	[sflag:s12] =	ssyncadd.s32 $0xFFFFF800  }
0x77: {  	_ =	swait.ge [sflag:s23], $0x800  }
0x78: {  	[sflag:s23] =	ssyncset.done $0x0  }
0x79: {  	[sflag:s23] =	ssyncadd.s32 $0xFFFFF800  }
0x7a: {  	[spmem:s2] =	stream.indirect.scatter.add.f32 [tilespmem:s18], [sflag:$0x5], $0x10, s28, s14, $0xb8;
	[tilespmem:$0x9780] =	vst v63  }
0x7b: {  	_ =	swait.ge [sflag:s12], $0x800  }
0x7c: {  	[sflag:s12] =	ssyncset.done $0x0  }
0x7d: {  	[sflag:s12] =	ssyncadd.s32 $0xFFFFF800  }
0x7e: {  	_ =	swait.ge [sflag:s24], $0x800  }
0x7f: {  	[sflag:s24] =	ssyncset.done $0x0  }
0x80: {  	[sflag:s24] =	ssyncadd.s32 $0xFFFFF800  }
0x81: {  	[spmem:s2] =	stream.indirect.scatter.add.f32 [tilespmem:s20], [sflag:$0x5], $0x10, s29, s14, $0xb8;
	[tilespmem:$0x9780] =	vst v63  }
0x82: {  	_ =	swait.ge [sflag:s12], $0x800  }
0x83: {  	s30 =	sadd.s32 $0x1, s30;
	[sflag:s12] =	ssyncset.done $0x0  }
0x84: {  	p0 =	sne.s32 s30, s10;
	[sflag:s12] =	ssyncadd.s32 $0xFFFFF800  }
.Ltmp1:
0x85: {  	[bflag:$0x0] =	sbarrier.arrive $0xFFFF;
	(pc) =	sbr.rel @p0 .LBB2_1-.Ltmp1, $4  }
0x86: {  	[hbm:s9], [sflag:s6] =	dma.local [spmem:s11], $0x4F0  }
0x87: {  	_ =	swait.ge [sflag:s12], $0x4F0  }
0x88: {  	[sflag:s12] =	ssyncset.done $0x0  }
0x89: {  	[sflag:s12] =	ssyncadd.s32 $0xFFFFFB10  }
0x8a: {  	_ =	sfence.sel $0x180000  }
0x8b: {  	[bflag:$0x0] =	sbarrier.arrive $0xFFFF  }
0x8c: {  	_ =	strace $0x9000004D  }
0x8d: {  	s0 =	stileid.u32;
	[bflag:$0x2] =	sbarrier.arrive $0xFFFF  }
0x8e: {  	p0 =	sne.s32 s0, $0x0;
	s0 =	rddreg [dreg:$0x3]  }
0x8f: {  	s0 =	sadd.s32 @!p0 $0x100000, s0  }
0x90: {  	[sflag:s0] =	ssyncadd.tile.s32 @!p0 $0x1;
	_ =	shalt  }
.Lfunc_end2:
_tile_overlayer_lowered:
.L_overlay_start_2:
0x91: {  	(tag) =	ssettag $0x2  }
0x92: {  	s0 =	rddreg [dreg:$0x0];
	s2 =	stileid.u32  }
0x93: {  	s1 =	rddreg [dreg:$0x1];
	p0 =	sne.s32 s2, $0x0  }
0x94: {  	s3 =	rddreg [dreg:$0x2];
	[bflag:$0x3] =	sbarrier.arrive $0xFFFF;
	s2 =	simm.s32 @!p0 $0x1C05  }
0x95: {  	[timem:s3], [sflag:s2] =	dma.local @!p0 [hbm:s0], s1  }
0x96: {  	s0 =	simm.s32 @!p0 $0x5  }
0x97: {  	_ =	swait.ge @!p0 [sflag:s0], s1  }
0x98: {  	s1 =	ssub.s32 @!p0 $0x0, s1;
	[sflag:s0] =	ssyncset.done @!p0 $0x0  }
0x99: {  	[sflag:s0] =	ssyncadd.s32 @!p0 s1  }
0x9a: {  	[bflag:$0x3] =	sbarrier.arrive $0xFFFF  }
0x9b: {  	_ =	shalt  }

// kernel: kernel.9.cloned.1.call-start
scs
__scs_entry_jumppad:
0x0: {  	(pc) =	sbr.rel $0x88, $3  }
0x1: {  	(tag) =	ssettag $0x0;
	lr =	simm.s32 $0x1  }
0x2: {  	[smem:$0x3F9B] =	sst lr;
	_ =	strace $0xD0000000  }
0x3: {  	_ = 	snop  }
0x4: {  	_ = 	snop  }
0x5: {  	_ = 	snop  }
0x6: {  	_ = 	snop  }
0x7: {  	_ = 	snop  }
__scs_overlays_trampoline_lowered:
0x8: {  	[smem:$0x3FAA] =	sst s0  }
0x9: {  	[smem:$0x3FAB] =	sst s1  }
0xa: {  	[smem:$0x3FAC] =	sst s2  }
0xb: {  	[smem:$0x3FAD] =	sst s3  }
0xc: {  	[smem:$0x3FAE] =	sst s4  }
0xd: {  	[smem:$0x3FAF] =	sst s5  }
0xe: {  	[smem:$0x3FB0] =	sst s6  }
0xf: {  	[smem:$0x3FB1] =	sst s7  }
0x10: {  	[smem:$0x3FB2] =	sst s8  }
0x11: {  	[smem:$0x3FB3] =	sst s9;
	s0 =	simm.s32 @!p0 $0x0  }
0x12: {  	s1 =	sld [smem:$0x3F99];
	s0 =	simm.s32 @p0 $0x1  }
0x13: {  	[smem:$0x3FB4] =	sst s0;
	s0 =	simm.s32 @!p1 $0x0  }
0x14: {  	s2 =	sld [smem:$0x3F98];
	s0 =	simm.s32 @p1 $0x1  }
0x15: {  	[smem:$0x3FB5] =	sst s0;
	s0 =	simm.s32 @!p2 $0x0  }
0x16: {  	s3 =	sld [smem:$0x3FDB];
	s0 =	simm.s32 @p2 $0x1  }
0x17: {  	s4 =	simm.s32 $0x1BF5;
	[smem:$0x3FB7] =	sst s0  }
0x18: {  	s0 =	sld [smem:$0x3F9A];
	_ =	swait.ge [sflag:s4], $0x0  }
0x19: {  	s7 =	sld [smem:$0x3F9B]  }
0x1a: {  	s8 =	sadd.s32 $0xFFFFE003, lr  }
0x1b: {  	s9 =	sadd.s32 $0xFFFFFEF7, lr;
	s5 =	simm.s32 $0xFFFFFFFF;
	p2 =	slt.u32 s8, $0xFFFFF086  }
0x1c: {  	p1 =	slt.u32 s9, $0xF7A;
	s5 =	simm.s32 @!p2 $0x0  }
0x1d: {  	s5 =	simm.s32 @p1 $0x1;
	p0 =	seq.s32 s7, s2  }
0x1e: {  	s7 =	smul.u32 @!p0 $0xF7A, s2;
	p2 =	seq.s32 @!p0 s5, $0x0  }
0x1f: {  	s9 =	smul.u32 $0xF7A, s1;
	s8 =	simm.s32 @!p0 $0x1BF5;
	p2 =	por !p2, p0  }
0x20: {  	[sflag:s8] =	ssyncset.s32 @!p0 $0xFFFFF086;
	s6 =	sadd.s32 @!p0 s3, s7;
	s7 =	simm.s32 @!p0 $0x108  }
0x21: {  	s3 =	sadd.s32 s3, s9;
	s6 =	sadd.s32 @!p0 $0x88, s6;
	s7 =	simm.s32 @p2 $0x1082  }
0x22: {  	[simem:s7], [sflag:s8] =	dma.local @!p0 [hbm:s6], $0xF7A  }
0x23: {  	s9 =	sor.u32 $0xD0000000, s2;
	s6 =	simm.s32 $0x108;
	_ =	swait.ge @!p0 [sflag:s8], $0x0  }
0x24: {  	s3 =	sadd.s32 $0x88, s3;
	s6 =	simm.s32 @!p1 $0x1082;
	[sflag:s4] =	ssyncset.s32 $0xFFFFF086  }
0x25: {  	[simem:s6], [sflag:s4] =	dma.local [hbm:s3], $0xF7A  }
0x26: {  	[smem:$0x3F9B] =	sst s1;
	(tag) =	ssettag s2;
	_ =	strace s9  }
0x27: {  	s1 =	sld [smem:$0x3FAB]  }
0x28: {  	s2 =	sld [smem:$0x3FAC]  }
0x29: {  	s4 =	sld [smem:$0x3FAE]  }
0x2a: {  	p0 =	seq.s32 s5, $0x0;
	s5 =	sld [smem:$0x3FAF]  }
0x2b: {  	s6 =	sld [smem:$0x3FB0]  }
0x2c: {  	s7 =	sld [smem:$0x3FB1]  }
0x2d: {  	s3 =	simm.s32 $0x108;
	s8 =	sld [smem:$0x3FB2]  }
0x2e: {  	s3 =	simm.s32 @!p0 $0x1082;
	s9 =	sld [smem:$0x3FB3]  }
0x2f: {  	lr =	sadd.s32 s0, s3;
	s0 =	sld [smem:$0x3FAA]  }
0x30: {  	s3 =	sld [smem:$0x3FAD]  }
0x31: {  	[smem:$0x3FB6] =	sst s10  }
0x32: {  	s10 =	sld [smem:$0x3FB4];
	_ =	sdelay $0x3  }
0x33: {  	p0 =	seq.s32 s10, $0x1;
	s10 =	sld [smem:$0x3FB6];
	_ =	sdelay $0x3  }
0x34: {  	[smem:$0x3FB6] =	sst s10  }
0x35: {  	s10 =	sld [smem:$0x3FB5];
	_ =	sdelay $0x3  }
0x36: {  	p1 =	seq.s32 s10, $0x1;
	s10 =	sld [smem:$0x3FB6];
	_ =	sdelay $0x3  }
0x37: {  	[smem:$0x3FB6] =	sst s10  }
0x38: {  	s10 =	sld [smem:$0x3FB7]  }
0x39: {  	_ = 	snop;
	(pc) =	sbr.ind lr, $3  }
0x3a: {  	_ = 	snop  }
0x3b: {  	_ = 	snop  }
0x3c: {  	p2 =	seq.s32 s10, $0x1;
	s10 =	sld [smem:$0x3FB6]  }
0x3d: {  	_ =	shalt  }
0x3e: {  	_ =	shalt  }
0x3f: {  	_ =	shalt  }
0x40: {  	_ =	shalt  }
0x41: {  	_ =	shalt  }
0x42: {  	_ =	shalt  }
0x43: {  	_ =	shalt  }
0x44: {  	_ =	shalt  }
0x45: {  	_ =	shalt  }
0x46: {  	_ =	shalt  }
0x47: {  	_ =	shalt  }
0x48: {  	_ =	shalt  }
0x49: {  	_ =	shalt  }
0x4a: {  	_ =	shalt  }
0x4b: {  	_ =	shalt  }
0x4c: {  	_ =	shalt  }
0x4d: {  	_ =	shalt  }
0x4e: {  	_ =	shalt  }
0x4f: {  	_ =	shalt  }
0x50: {  	_ =	shalt  }
0x51: {  	_ =	shalt  }
0x52: {  	_ =	shalt  }
0x53: {  	_ =	shalt  }
0x54: {  	_ =	shalt  }
0x55: {  	_ =	shalt  }
0x56: {  	_ =	shalt  }
0x57: {  	_ =	shalt  }
0x58: {  	_ =	shalt  }
0x59: {  	_ =	shalt  }
0x5a: {  	_ =	shalt  }
0x5b: {  	_ =	shalt  }
0x5c: {  	_ =	shalt  }
0x5d: {  	_ =	shalt  }
0x5e: {  	_ =	shalt  }
0x5f: {  	_ =	shalt  }
0x60: {  	_ =	shalt  }
0x61: {  	_ =	shalt  }
0x62: {  	_ =	shalt  }
0x63: {  	_ =	shalt  }
0x64: {  	_ =	shalt  }
0x65: {  	_ =	shalt  }
0x66: {  	_ =	shalt  }
0x67: {  	_ =	shalt  }
0x68: {  	_ =	shalt  }
0x69: {  	_ =	shalt  }
0x6a: {  	_ =	shalt  }
0x6b: {  	_ =	shalt  }
0x6c: {  	_ =	shalt  }
0x6d: {  	_ =	shalt  }
0x6e: {  	_ =	shalt  }
0x6f: {  	_ =	shalt  }
0x70: {  	_ =	shalt  }
0x71: {  	_ =	shalt  }
0x72: {  	_ =	shalt  }
0x73: {  	_ =	shalt  }
0x74: {  	_ =	shalt  }
0x75: {  	_ =	shalt  }
0x76: {  	_ =	shalt  }
0x77: {  	_ =	shalt  }
0x78: {  	_ =	shalt  }
0x79: {  	_ =	shalt  }
0x7a: {  	_ =	shalt  }
0x7b: {  	_ =	shalt  }
0x7c: {  	_ =	shalt  }
0x7d: {  	_ =	shalt  }
0x7e: {  	_ =	shalt  }
0x7f: {  	_ =	shalt  }
0x80: {  	_ =	shalt  }
0x81: {  	_ =	shalt  }
0x82: {  	_ =	shalt  }
0x83: {  	_ =	shalt  }
0x84: {  	_ =	shalt  }
0x85: {  	_ =	shalt  }
0x86: {  	_ =	shalt  }
0x87: {  	_ =	shalt  }
.Lfunc_end0:
.L_simem_size_0:
called_computation_lowered:
.L_overlay_start_0:
0x88: {  	s2 =	sld [smem:$0x3FD9]  }
0x89: {  	s3 =	sld [smem:$0x3FFE];
	_ =	sdelay $0x1  }
0x8a: {  	s1 =	srdreg.scid  }
0x8b: {  	s0 =	sand.u32 $0x1, s1  }
0x8c: {  	s17 =	sshll.u32 s0, $0xA;
	s2 =	sadd.s32 s3, s2  }
0x8d: {  	s2 =	sadd.s32 s2, s17  }
0x8e: {  	[smem:$0x3FC2] =	sst s2  }
0x8f: {  	_ = 	snop  }
0x90: {  	s2 =	sld [smem:$0x3FD0];
	(tm) =	ssettm $0x1  }
0x91: {  	s18 =	sld [smem:$0x3FFB];
	_ =	sdelay $0x3  }
0x92: {  	_ =	strace s18  }
0x93: {  	s3 =	sld [smem:$0x3FFC];
	_ =	sdelay $0x3  }
0x94: {  	_ =	strace s3  }
0x95: {  	s3 =	sld [smem:$0x3FFD];
	_ =	sdelay $0x3  }
0x96: {  	_ =	strace s3  }
0x97: {  	_ =	strace $0x8FFFFFFF  }
0x98: {  	s19 =	sld [smem:$0x3FDB];
	_ =	sdelay $0x1  }
0x99: {  	s4 =	simm.s32 $_scs_section_size  }
0x9a: {  	s5 =	simm.s32 $_size__tile_overlayer_lowered;
	s6 =	simm.s32 $_tile_overlayer_lowered  }
0x9b: {  	s22 =	simm.s32 $0x1BFF;
	s21 =	sshll.u32 s6, $0x1;
	s3 =	sadd.s32 s4, s19  }
0x9c: {  	s7 =	simm.s32 $0x0;
	s20 =	sshll.u32 s5, $0x1;
	s5 =	sadd.s32 s21, s3  }
0x9d: {  	[timem:s7], [sflag:s22] =	dma.local [hbm:s5], s20  }
0x9e: {  	_ =	swait.ge [sflag:s22], s20  }
0x9f: {  	s4 =	ssub.s32 $0x0, s20;
	[sflag:s22] =	ssyncset.done $0x0  }
0xa0: {  	[sflag:s22] =	ssyncadd.s32 s4;
	_ =	sdelay $0x1  }
0xa1: {  	s23 =	simm.s32 $0x1B8B  }
0xa2: {  	_ =	swait.ge [sflag:s23], $0x1  }
0xa3: {  	[sflag:s23] =	ssyncset.done $0x0  }
0xa4: {  	s25 =	simm.s32 $0x1B8E;
	s24 =	sld [smem:$0x3FFE];
	[sflag:s23] =	ssyncadd.s32 $0xFFFFFFFF  }
0xa5: {  	s26 =	simm.s32 $execute0_lowered;
	[smem:$0x3FD2] =	sst s25  }
0xa6: {  	s5 =	sshll.u32 s26, $0x1;
	_ =	strace $0x80000046;
	[dreg:$0x1] =	wrdreg $0xFFFFFFFF  }
0xa7: {  	s28 =	simm.s32 $_size_execute0_lowered;
	s3 =	sadd.s32 s3, s5;
	[dreg:$0x0] =	wrdreg $0x0  }
0xa8: {  	s5 =	sshll.u32 s28, $0x1;
	[dreg:$0x2] =	wrdreg s3  }
0xa9: {  	[dreg:$0x3] =	wrdreg s5  }
0xaa: {  	[dreg:$0x4] =	wrdreg $0xC0  }
0xab: {  	_ =	task [dreg:s7], $0x5FFFF  }
0xac: {  	[dreg:$0x1] =	wrdreg $0xFFFFFFFF  }
0xad: {  	[dreg:$0x0] =	wrdreg $0x60  }
0xae: {  	[dreg:$0x2] =	wrdreg s24  }
0xaf: {  	[dreg:$0x3] =	wrdreg s2  }
0xb0: {  	[dreg:$0x4] =	wrdreg $0x30000  }
0xb1: {  	[dreg:$0x5] =	wrdreg $0x9  }
0xb2: {  	_ =	task.clear_ibuf [dreg:s7], $0x6FFFF;
	_ =	strace $0x90000046  }
0xb3: {  	s29 =	simm.s32 $0x9;
	_ =	strace $0x80000048  }
0xb4: {  	_ =	swait.ge [sflag:s29], $0x1  }
0xb5: {  	[sflag:s29] =	ssyncadd.s32 $0xFFFFFFFF  }
0xb6: {  	_ =	strace $0x90000048  }
0xb7: {  	_ =	sfence  }
0xb8: {  	s30 =	sld [smem:$0x0];
	_ =	sdelay $0x2  }
0xb9: {  	s31 =	sshll.u32 s1, $0xD;
	s1 =	sshrl.u32 s1, $0x2  }
0xba: {  	s3 =	sand.u32 $0x4000, s31;
	s1 =	sadd.s32 s1, s30  }
0xbb: {  	s0 =	sor.u32 s3, s0;
	s1 =	sshll.u32 s1, $0x11  }
0xbc: {  	s0 =	sor.u32 s1, s0  }
0xbd: {  	s0 =	sadd.s32 $0x8F2B, s0  }
0xbe: {  	[sflag:s0] =	ssyncadd.remote.s32 $0x1  }
0xbf: {  	_ =	sfence.sel $0xFFFF  }
0xc0: {  	[dreg:$0x0] =	wrdreg $0xFFFFFFFF;
	(pc) =	sbr.abs _section_cstart, $3  }
0xc1: {  	[dreg:$0x1] =	wrdreg $0xFFFFFFFF  }
0xc2: {  	_ =	task.clear_ibuf [dreg:s7], $0x2FFFF;
	_ =	strace $0x9FFFFFFF  }
0xc3: {  	(tm) =	ssettm $0x7FFFFFFF  }
tec
execute0_lowered:
.L_overlay_start_1:
0x0: {  	(tag) =	ssettag $0x1  }
0x1: {  	s5 =	rddreg [dreg:$0x0]  }
0x2: {  	s0 =	srdreg.scid;
	s6 =	rddreg [dreg:$0x1]  }
0x3: {  	s2 =	rddreg [dreg:$0x2];
	s3 =	simm.s32 $0x0;
	s12 =	simm.s32 $0x2800  }
0x4: {  	s13 =	simm.s32 $0x80;
	s4 =	sand.u32 $0x1, s0;
	s0 =	stileid.u32  }
0x5: {  	s14 =	simm.s32 $0x0;
	[smem:$0x7FF] =	sst s3;
	s8 =	smul.u32 $0x2780, s0  }
0x6: {  	s1 =	sshll.u32 s4, $0x4;
	s9 =	smul.u32 $0x27800, s4;
	s10 =	ssub.s32 $0x2, s4  }
0x7: {  	s4 =	sadd.s32 $0x15800, s5;
	s31 =	sshll.u32 s0, $0x6;
	s1 =	sor.u32 s0, s1  }
0x8: {  	s11 =	sshrl.u32 s10, $0x1;
	s7 =	smul.u32 $0x500, s1;
	s1 =	rddreg [dreg:$0x3]  }
0x9: {  	_ =	strace $0x80000047;
	s9 =	sadd.s32 s8, s9;
	s10 =	ssub.s32 s10, s11  }
0xa: {  	s29 =	sshrl.u32 s8, $0x3;
	s30 =	sadd.s32 s8, s2;
	s9 =	sshrl.u32 s9, $0x3  }
0xb: {  	s11 =	simm.s32 $0x1;
	s7 =	sadd.s32 s7, s5;
	s9 =	sadd.s32 s9, s5  }
0xc: {  	s5 =	sadd.s32 s6, s29;
	s6 =	sor.u32 $0x1C01, s31;
	s7 =	sadd.s32 $0xB800, s7  }
0xd: {  	s8 =	sadd.s32 $0x15A00, s9;
	s9 =	smax.u32 s10, $0x1;
	s10 =	sshrl.u32 s30, $0x3  }
.LBB2_1:
0xe: {  	[spmem:s10], [sflag:s6] =	dma.local [hbm:s5], $0x4F0  }
0xf: {  	_ =	swait.ge [sflag:s11], $0x4F0  }
0x10: {  	[sflag:s11] =	ssyncset.done $0x0  }
0x11: {  	[sflag:s11] =	ssyncadd.s32 $0xFFFFFB10  }
0x12: {  	[tilespmem:s3], [sflag:$0x1] =	stream.linear.gather [hbm4b:s7+s3], $0x2800, $0x38;
	[tilespmem:$0x5780] =	vst v63  }
0x13: {  	_ =	swait.ge [sflag:s11], $0x2800  }
0x14: {  	[sflag:s11] =	ssyncset.done $0x0  }
0x15: {  	[sflag:s11] =	ssyncadd.s32 $0xFFFFD800  }
0x16: {  	[tilespmem:s12], [sflag:$0x1] =	stream.linear.gather [hbm4b:s4+s3], $0x800, $0x38;
	[tilespmem:$0x5780] =	vst v63  }
0x17: {  	_ =	swait.ge [sflag:s11], $0x800  }
0x18: {  	[sflag:s11] =	ssyncset.done $0x0  }
0x19: {  	[sflag:s11] =	ssyncadd.s32 $0xFFFFF800  }
0x1a: {  	s15 =	simm.s32 $0x0;
	[bflag:$0x0] =	sbarrier.arrive $0xFFFF  }
0x1b: {  	[spmem:s2] =	stream.indirect.scatter.add.f32 [tilespmem:s12], [sflag:$0x1], $0x10, s15, s13, $0xb8;
	[tilespmem:$0x5780] =	vst v63  }
0x1c: {  	_ =	swait.ge [sflag:s11], $0x800  }
0x1d: {  	s15 =	simm.s32 $0x200;
	[sflag:s11] =	ssyncset.done $0x0  }
.LBB2_2:
0x1e: {  	s16 =	sshra.s32 s15, $0x2;
	[sflag:s11] =	ssyncadd.s32 $0xFFFFF800;
	p0 =	sne.s32 s15, $0x9E00  }
0x1f: {  	[spmem:s2] =	stream.indirect.scatter.add.f32 [tilespmem:s12], [sflag:$0x1], $0x10, s16, s13, $0xb8;
	[tilespmem:$0x5780] =	vst v63  }
.Ltmp0:
0x20: {  	_ = 	snop;
	(pc) =	sbr.rel @p0 .LBB2_2-.Ltmp0, $4  }
0x21: {  	_ = 	snop  }
0x22: {  	s15 =	sadd.s32 $0x200, s15  }
0x23: {  	_ =	swait.ge [sflag:s11], $0x800  }
0x24: {  	[sflag:s11] =	ssyncset.done $0x0  }
0x25: {  	s14 =	sadd.s32 $0x1, s14  }
0x26: {  	[sflag:s11] =	ssyncadd.s32 $0xFFFFF800;
	p0 =	sne.s32 s14, s9  }
.Ltmp1:
0x27: {  	[bflag:$0x0] =	sbarrier.arrive $0xFFFF;
	(pc) =	sbr.rel @p0 .LBB2_1-.Ltmp1, $4  }
0x28: {  	[hbm:s8], [sflag:s6] =	dma.local [spmem:s10], $0x4F0  }
0x29: {  	_ =	swait.ge [sflag:s11], $0x4F0  }
0x2a: {  	[sflag:s11] =	ssyncset.done $0x0  }
0x2b: {  	[sflag:s11] =	ssyncadd.s32 $0xFFFFFB10  }
0x2c: {  	_ =	sfence.sel $0x180000  }
0x2d: {  	[bflag:$0x0] =	sbarrier.arrive $0xFFFF  }
0x2e: {  	p0 =	sne.s32 s0, $0x0;
	_ =	strace $0x90000047  }
0x2f: {  	s0 =	sadd.s32 @!p0 $0x100000, s1;
	[bflag:$0x2] =	sbarrier.arrive $0xFFFF  }
0x30: {  	[sflag:s0] =	ssyncadd.tile.s32 @!p0 $0x1;
	_ =	shalt  }
.Lfunc_end2:
_tile_overlayer_lowered:
.L_overlay_start_2:
0x31: {  	(tag) =	ssettag $0x2  }
0x32: {  	s0 =	rddreg [dreg:$0x0];
	s2 =	stileid.u32  }
0x33: {  	s1 =	rddreg [dreg:$0x1];
	p0 =	sne.s32 s2, $0x0  }
0x34: {  	s3 =	rddreg [dreg:$0x2];
	[bflag:$0x3] =	sbarrier.arrive $0xFFFF;
	s2 =	simm.s32 @!p0 $0x1C01  }
0x35: {  	[timem:s3], [sflag:s2] =	dma.local @!p0 [hbm:s0], s1  }
0x36: {  	s0 =	simm.s32 @!p0 $0x1  }
0x37: {  	_ =	swait.ge @!p0 [sflag:s0], s1  }
0x38: {  	s1 =	ssub.s32 @!p0 $0x0, s1;
	[sflag:s0] =	ssyncset.done @!p0 $0x0  }
0x39: {  	[sflag:s0] =	ssyncadd.s32 @!p0 s1  }
0x3a: {  	[bflag:$0x3] =	sbarrier.arrive $0xFFFF  }
0x3b: {  	_ =	shalt  }

</sc_bundles>
